<compile_context>
chip_gen: v7x
topology: tpu7x:2x2x1
jax: 0.10.2.dev20260603
libtpu: 0.0.44.dev20260713+nightly
codegen_flags: <defaults>
</compile_context>

<pallas_src>
import functools
import jax
import jax.numpy as jnp
from jax import lax
from jax.experimental import pallas as pl
from jax.experimental.pallas import tpu as pltpu
from jax.experimental.pallas import tpu_sc as plsc

NUM_TYPES = 119
N_NODES = 100000
OUT_COLS = NUM_TYPES + 1

B = 8192
GRID = -(-N_NODES // B)
NP = GRID * B


def _tc_body_w(w, t_ref, x_ref, y_ref, z_ref, a_ref):
    t = t_ref[0]
    cls = jax.lax.broadcasted_iota(jnp.int32, (OUT_COLS, w), 0)
    one_hot = (cls == t).astype(jnp.float32)
    x = x_ref[0]
    y = y_ref[0]
    z = z_ref[0]
    s = x * x + y * y + z * z
    norm = jnp.sqrt(s)
    d = jnp.maximum(norm, 1e-12)
    sn = s / (d * d)
    a_ref[:] = jnp.where(cls == NUM_TYPES, sn, one_hot)


def _tc_tail_body(w, t_ref, x_ref, y_ref, z_ref, f_in_ref, a_ref):
    del f_in_ref
    _tc_body_w(w, t_ref, x_ref, y_ref, z_ref, a_ref)


W = 256
CPW = 4
SPAN = CPW * W
NC, NS = 2, 16
NW = NC * NS
SC_NODES = NW * SPAN
GW = W // 16
W2 = 2048
N_TAIL_BLKS = -(-(N_NODES - SC_NODES) // W2)
TAIL_PAD = N_TAIL_BLKS * W2


def _sc_body(t_hbm, x_hbm, y_hbm, z_hbm, zz_hbm, out_hbm,
             tb, xb, yb, zb, buf0, buf1, sem0, sem1):
    wid = lax.axis_index("s") * NC + lax.axis_index("c")
    lane = lax.iota(jnp.int32, 16)
    ones = jnp.full((16,), 1.0, jnp.float32)
    zeros = jnp.zeros((16,), jnp.float32)
    c119 = jnp.full((16,), NUM_TYPES, jnp.int32)
    bufs = (buf0, buf1)
    sems = (sem0, sem1)

    span = wid * SPAN
    pltpu.sync_copy(zz_hbm, buf0)
    pltpu.sync_copy(zz_hbm, buf1)
    pltpu.sync_copy(t_hbm.at[pl.ds(span, SPAN)], tb)
    pltpu.sync_copy(x_hbm.at[pl.ds(span, SPAN)], xb)
    pltpu.sync_copy(y_hbm.at[pl.ds(span, SPAN)], yb)
    pltpu.sync_copy(z_hbm.at[pl.ds(span, SPAN)], zb)

    def _build(buf, lb):
        def group_step(g, carry):
            off = lb + g * 16
            cols = g * 16 + lane
            t = tb[pl.ds(off, 16)]
            x = xb[pl.ds(off, 16)]
            y = yb[pl.ds(off, 16)]
            z = zb[pl.ds(off, 16)]
            s = x * x + y * y + z * z
            sn = s / jnp.maximum(s, 1e-24)
            plsc.store_scatter(buf, [t, cols], ones)
            plsc.store_scatter(buf, [c119, cols], sn)
            return carry

        lax.fori_loop(0, GW, group_step, 0)

    def _clear(buf, lb):
        def group_step(g, carry):
            off = lb + g * 16
            cols = g * 16 + lane
            t = tb[pl.ds(off, 16)]
            plsc.store_scatter(buf, [t, cols], zeros)
            return carry

        lax.fori_loop(0, GW, group_step, 0)

    handles = [None, None]
    for j in range(CPW):
        b = j % 2
        if j >= 2:
            handles[b].wait()
            _clear(bufs[b], (j - 2) * W)
        _build(bufs[b], j * W)
        handles[b] = pltpu.async_copy(
            bufs[b], out_hbm.at[:, pl.ds(span + j * W, W)], sems[b]
        )
    handles[CPW % 2].wait()
    handles[(CPW + 1) % 2].wait()


@functools.cache
def _sc_call():
    return pl.kernel(
        _sc_body,
        out_type=jax.ShapeDtypeStruct((OUT_COLS, N_NODES), jnp.float32),
        mesh=plsc.VectorSubcoreMesh(
            core_axis_name="c", subcore_axis_name="s", num_cores=NC, num_subcores=NS
        ),
        scratch_types=[
            pltpu.VMEM((SPAN,), jnp.int32),
            pltpu.VMEM((SPAN,), jnp.float32),
            pltpu.VMEM((SPAN,), jnp.float32),
            pltpu.VMEM((SPAN,), jnp.float32),
            pltpu.VMEM((OUT_COLS, W), jnp.float32),
            pltpu.VMEM((OUT_COLS, W), jnp.float32),
            pltpu.SemaphoreType.DMA,
            pltpu.SemaphoreType.DMA,
        ],
        compiler_params=pltpu.CompilerParams(needs_layout_passes=False),
    )


def kernel(atom_type, pos, spin):
    del pos
    t_flat = atom_type.reshape(N_NODES)
    sx = spin[:, 0]
    sy = spin[:, 1]
    sz = spin[:, 2]

    zeros_chunk = jnp.zeros((OUT_COLS, W), jnp.float32)
    feats_t = _sc_call()(t_flat, sx, sy, sz, zeros_chunk)

    pad = (0, NP - N_NODES)
    t3 = jnp.pad(t_flat, pad).reshape(GRID, 1, B)
    x3 = jnp.pad(sx, pad).reshape(GRID, 1, B)
    y3 = jnp.pad(sy, pad).reshape(GRID, 1, B)
    z3 = jnp.pad(sz, pad).reshape(GRID, 1, B)
    in_spec = pl.BlockSpec((1, 1, B), lambda i: (i, 0, 0))
    out_spec = pl.BlockSpec((OUT_COLS, B), lambda i: (0, i))
    attrs_t = pl.pallas_call(
        functools.partial(_tc_body_w, B),
        grid=(GRID,),
        in_specs=[in_spec, in_spec, in_spec, in_spec],
        out_specs=out_spec,
        out_shape=jax.ShapeDtypeStruct((OUT_COLS, N_NODES), jnp.float32),
    )(t3, x3, y3, z3)

    tpad = (0, TAIL_PAD - (N_NODES - SC_NODES))
    t_t3 = jnp.pad(t_flat[SC_NODES:], tpad).reshape(N_TAIL_BLKS, 1, W2)
    x_t3 = jnp.pad(sx[SC_NODES:], tpad).reshape(N_TAIL_BLKS, 1, W2)
    y_t3 = jnp.pad(sy[SC_NODES:], tpad).reshape(N_TAIL_BLKS, 1, W2)
    z_t3 = jnp.pad(sz[SC_NODES:], tpad).reshape(N_TAIL_BLKS, 1, W2)
    tail_in = pl.BlockSpec((1, 1, W2), lambda i: (i, 0, 0))
    blk0 = SC_NODES // W2
    feats_t = pl.pallas_call(
        functools.partial(_tc_tail_body, W2),
        grid=(N_TAIL_BLKS,),
        in_specs=[tail_in, tail_in, tail_in, tail_in,
                  pl.BlockSpec((8, 128), lambda i: (0, 0))],
        out_specs=pl.BlockSpec((OUT_COLS, W2), lambda i: (0, blk0 + i)),
        out_shape=jax.ShapeDtypeStruct((OUT_COLS, N_NODES), jnp.float32),
        input_output_aliases={4: 0},
    )(t_t3, x_t3, y_t3, z_t3, feats_t)
    return (attrs_t.T, feats_t.T, spin)

# --- scband reference (transcript-rebuilt; emitter-appended) ---
"""Pipeline reference for scband-one-hot-atom-encoding-spin-87213605913086 (READ-ONLY COPY).

The authoritative reference and input builder live on the scoring server;
editing this copy changes nothing except your own understanding.
"""

import jax, jax.numpy as jnp
import numpy as np

NUM_TYPES = 119
N_NODES = 100000

def setup_inputs(seed: int = 0) -> dict:
    key = jax.random.key(seed)
    k1, k2, k3 = jax.random.split(key, 3)
    atom_type = jax.random.randint(k1, (N_NODES, 1), 0, NUM_TYPES, dtype=jnp.int64 if jax.config.jax_enable_x64 else jnp.int32).astype(jnp.int32)
    pos = jax.random.normal(k2, (N_NODES, 3), dtype=jnp.float32)
    spin = jax.random.normal(k3, (N_NODES, 3), dtype=jnp.float32)
    return {"atom_type": atom_type, "pos": pos, "spin": spin}

def reference(atom_type, pos, spin):
    # type_numbers = data[ATOM_TYPE_KEY].squeeze(-1)
    type_numbers = atom_type.squeeze(-1)
    # one_hot encoding of atom types, cast to positions dtype
    one_hot = jax.nn.one_hot(type_numbers, NUM_TYPES, dtype=pos.dtype)
    # SPIN_NONLEAF_KEY = spin (pass-through)
    spin_nonleaf = spin
    # F.normalize(spin, dim=-1): x / max(||x||_2, eps), eps=1e-12
    norm = jnp.linalg.norm(spin_nonleaf, axis=-1, keepdims=True)
    spin_normed = spin_nonleaf / jnp.maximum(norm, 1e-12)
    # spin_norm = sum(spin * spin, dim=-1, keepdim)
    spin_norm = jnp.sum(spin_normed * spin_normed, axis=-1)[:, None]
    node_attrs = jnp.concatenate([one_hot, spin_norm], axis=-1)
    # set_features=True -> node_features = node_attrs (same tensor)
    node_features = node_attrs
    return (node_attrs, node_features, spin_nonleaf)

if __name__ == "__main__":
    import jax
    _d = setup_inputs()
    print(jax.jit(kernel)(*tuple(_d.values())))

</pallas_src>

<mosaic_0001>
#map = affine_map<(d0, d1) -> (0)>
#map1 = affine_map<(d0, d1) -> (0, 0)>
module attributes {stable_mosaic.version = 14 : i64} {
  func.func @_sc_body(%arg0: i32, %arg1: i32, %arg2: memref<100000xi32, #tpu.memory_space<hbm>>, %arg3: memref<100000xf32, #tpu.memory_space<hbm>>, %arg4: memref<100000xf32, #tpu.memory_space<hbm>>, %arg5: memref<100000xf32, #tpu.memory_space<hbm>>, %arg6: memref<120x256xf32, #tpu.memory_space<hbm>>, %arg7: memref<120x100000xf32, #tpu.memory_space<hbm>>, %arg8: memref<1024xi32, #tpu.memory_space<vmem>>, %arg9: memref<1024xf32, #tpu.memory_space<vmem>>, %arg10: memref<1024xf32, #tpu.memory_space<vmem>>, %arg11: memref<1024xf32, #tpu.memory_space<vmem>>, %arg12: memref<120x256xf32, #tpu.memory_space<vmem>>, %arg13: memref<120x256xf32, #tpu.memory_space<vmem>>, %arg14: memref<!tpu.dma_semaphore, #tpu.memory_space<semaphore_mem>>, %arg15: memref<!tpu.dma_semaphore, #tpu.memory_space<semaphore_mem>>) attributes {dimension_semantics = [#tpu.dimension_semantics<core_parallel>, #tpu.dimension_semantics<subcore_parallel>], iteration_bounds = array<i64: 2, 16>, scalar_prefetch = 0 : i64, scratch_operands = 8 : i64, tpu.core_type = #tpu.core_type<sc_vector_subcore>, window_params = [{transform_indices = #map}, {transform_indices = #map}, {transform_indices = #map}, {transform_indices = #map}, {transform_indices = #map1}, {transform_indices = #map1}]} {
    %mul3A = arith.constant 2 : i32
    %mul3A_0 = arith.muli %arg1, %mul3A : i32
    %add3A = arith.addi %mul3A_0, %arg0 : i32
    %iota3A = tpu.iota {dimensions = array<i32: 0>} : vector<16xi32>
    %broadcast_in_dim3A = arith.constant 1.000000e+00 : f32
    %broadcast_in_dim3A_1 = vector.broadcast %broadcast_in_dim3A : f32 to vector<16xf32>
    %broadcast_in_dim3A_2 = arith.constant 0.000000e+00 : f32
    %broadcast_in_dim3A_3 = vector.broadcast %broadcast_in_dim3A_2 : f32 to vector<16xf32>
    %broadcast_in_dim3A_4 = arith.constant 119 : i32
    %broadcast_in_dim3A_5 = vector.broadcast %broadcast_in_dim3A_4 : i32 to vector<16xi32>
    %mul3A_6 = arith.constant 1024 : i32
    %mul3A_7 = arith.muli %add3A, %mul3A_6 : i32
    "tpu.region"() ({
      %run_scoped3A = tpu.sem_alloc : memref<!tpu.dma_semaphore, #tpu.memory_space<semaphore_mem>>
      tpu.enqueue_dma source(%arg6 : memref<120x256xf32, #tpu.memory_space<hbm>>) target(%arg12 : memref<120x256xf32, #tpu.memory_space<vmem>>) target_semaphore(%run_scoped3A : memref<!tpu.dma_semaphore, #tpu.memory_space<semaphore_mem>>)
      tpu.wait_dma2 semaphore(%run_scoped3A : memref<!tpu.dma_semaphore, #tpu.memory_space<semaphore_mem>>) src(%arg6 : memref<120x256xf32, #tpu.memory_space<hbm>>) dst(%arg12 : memref<120x256xf32, #tpu.memory_space<vmem>>)
      tpu.yield
    }) : () -> ()
    "tpu.region"() ({
      %run_scoped3A = tpu.sem_alloc : memref<!tpu.dma_semaphore, #tpu.memory_space<semaphore_mem>>
      tpu.enqueue_dma source(%arg6 : memref<120x256xf32, #tpu.memory_space<hbm>>) target(%arg13 : memref<120x256xf32, #tpu.memory_space<vmem>>) target_semaphore(%run_scoped3A : memref<!tpu.dma_semaphore, #tpu.memory_space<semaphore_mem>>)
      tpu.wait_dma2 semaphore(%run_scoped3A : memref<!tpu.dma_semaphore, #tpu.memory_space<semaphore_mem>>) src(%arg6 : memref<120x256xf32, #tpu.memory_space<hbm>>) dst(%arg13 : memref<120x256xf32, #tpu.memory_space<vmem>>)
      tpu.yield
    }) : () -> ()
    "tpu.region"() ({
      %run_scoped3A = tpu.sem_alloc : memref<!tpu.dma_semaphore, #tpu.memory_space<semaphore_mem>>
      %dma_start3A_81 = tpu.memref_slice %arg2[%mul3A_7] : memref<100000xi32, #tpu.memory_space<hbm>> -> memref<1024xi32, #tpu.memory_space<hbm>>
      %dma_start3A_82 = tpu.memref_slice %arg2[%mul3A_7] : memref<100000xi32, #tpu.memory_space<hbm>> -> memref<1024xi32, #tpu.memory_space<hbm>>
      tpu.enqueue_dma source(%dma_start3A_82 : memref<1024xi32, #tpu.memory_space<hbm>>) target(%arg8 : memref<1024xi32, #tpu.memory_space<vmem>>) target_semaphore(%run_scoped3A : memref<!tpu.dma_semaphore, #tpu.memory_space<semaphore_mem>>)
      %dma_wait3A_83 = tpu.memref_slice %arg2[%mul3A_7] : memref<100000xi32, #tpu.memory_space<hbm>> -> memref<1024xi32, #tpu.memory_space<hbm>>
      %dma_wait3A_84 = tpu.memref_slice %arg2[%mul3A_7] : memref<100000xi32, #tpu.memory_space<hbm>> -> memref<1024xi32, #tpu.memory_space<hbm>>
      tpu.wait_dma2 semaphore(%run_scoped3A : memref<!tpu.dma_semaphore, #tpu.memory_space<semaphore_mem>>) src(%dma_wait3A_84 : memref<1024xi32, #tpu.memory_space<hbm>>) dst(%arg8 : memref<1024xi32, #tpu.memory_space<vmem>>)
      tpu.yield
    }) : () -> ()
    "tpu.region"() ({
      %run_scoped3A = tpu.sem_alloc : memref<!tpu.dma_semaphore, #tpu.memory_space<semaphore_mem>>
      %dma_start3A_81 = tpu.memref_slice %arg3[%mul3A_7] : memref<100000xf32, #tpu.memory_space<hbm>> -> memref<1024xf32, #tpu.memory_space<hbm>>
      %dma_start3A_82 = tpu.memref_slice %arg3[%mul3A_7] : memref<100000xf32, #tpu.memory_space<hbm>> -> memref<1024xf32, #tpu.memory_space<hbm>>
      tpu.enqueue_dma source(%dma_start3A_82 : memref<1024xf32, #tpu.memory_space<hbm>>) target(%arg9 : memref<1024xf32, #tpu.memory_space<vmem>>) target_semaphore(%run_scoped3A : memref<!tpu.dma_semaphore, #tpu.memory_space<semaphore_mem>>)
      %dma_wait3A_83 = tpu.memref_slice %arg3[%mul3A_7] : memref<100000xf32, #tpu.memory_space<hbm>> -> memref<1024xf32, #tpu.memory_space<hbm>>
      %dma_wait3A_84 = tpu.memref_slice %arg3[%mul3A_7] : memref<100000xf32, #tpu.memory_space<hbm>> -> memref<1024xf32, #tpu.memory_space<hbm>>
      tpu.wait_dma2 semaphore(%run_scoped3A : memref<!tpu.dma_semaphore, #tpu.memory_space<semaphore_mem>>) src(%dma_wait3A_84 : memref<1024xf32, #tpu.memory_space<hbm>>) dst(%arg9 : memref<1024xf32, #tpu.memory_space<vmem>>)
      tpu.yield
    }) : () -> ()
    "tpu.region"() ({
      %run_scoped3A = tpu.sem_alloc : memref<!tpu.dma_semaphore, #tpu.memory_space<semaphore_mem>>
      %dma_start3A_81 = tpu.memref_slice %arg4[%mul3A_7] : memref<100000xf32, #tpu.memory_space<hbm>> -> memref<1024xf32, #tpu.memory_space<hbm>>
      %dma_start3A_82 = tpu.memref_slice %arg4[%mul3A_7] : memref<100000xf32, #tpu.memory_space<hbm>> -> memref<1024xf32, #tpu.memory_space<hbm>>
      tpu.enqueue_dma source(%dma_start3A_82 : memref<1024xf32, #tpu.memory_space<hbm>>) target(%arg10 : memref<1024xf32, #tpu.memory_space<vmem>>) target_semaphore(%run_scoped3A : memref<!tpu.dma_semaphore, #tpu.memory_space<semaphore_mem>>)
      %dma_wait3A_83 = tpu.memref_slice %arg4[%mul3A_7] : memref<100000xf32, #tpu.memory_space<hbm>> -> memref<1024xf32, #tpu.memory_space<hbm>>
      %dma_wait3A_84 = tpu.memref_slice %arg4[%mul3A_7] : memref<100000xf32, #tpu.memory_space<hbm>> -> memref<1024xf32, #tpu.memory_space<hbm>>
      tpu.wait_dma2 semaphore(%run_scoped3A : memref<!tpu.dma_semaphore, #tpu.memory_space<semaphore_mem>>) src(%dma_wait3A_84 : memref<1024xf32, #tpu.memory_space<hbm>>) dst(%arg10 : memref<1024xf32, #tpu.memory_space<vmem>>)
      tpu.yield
    }) : () -> ()
    "tpu.region"() ({
      %run_scoped3A = tpu.sem_alloc : memref<!tpu.dma_semaphore, #tpu.memory_space<semaphore_mem>>
      %dma_start3A_81 = tpu.memref_slice %arg5[%mul3A_7] : memref<100000xf32, #tpu.memory_space<hbm>> -> memref<1024xf32, #tpu.memory_space<hbm>>
      %dma_start3A_82 = tpu.memref_slice %arg5[%mul3A_7] : memref<100000xf32, #tpu.memory_space<hbm>> -> memref<1024xf32, #tpu.memory_space<hbm>>
      tpu.enqueue_dma source(%dma_start3A_82 : memref<1024xf32, #tpu.memory_space<hbm>>) target(%arg11 : memref<1024xf32, #tpu.memory_space<vmem>>) target_semaphore(%run_scoped3A : memref<!tpu.dma_semaphore, #tpu.memory_space<semaphore_mem>>)
      %dma_wait3A_83 = tpu.memref_slice %arg5[%mul3A_7] : memref<100000xf32, #tpu.memory_space<hbm>> -> memref<1024xf32, #tpu.memory_space<hbm>>
      %dma_wait3A_84 = tpu.memref_slice %arg5[%mul3A_7] : memref<100000xf32, #tpu.memory_space<hbm>> -> memref<1024xf32, #tpu.memory_space<hbm>>
      tpu.wait_dma2 semaphore(%run_scoped3A : memref<!tpu.dma_semaphore, #tpu.memory_space<semaphore_mem>>) src(%dma_wait3A_84 : memref<1024xf32, #tpu.memory_space<hbm>>) dst(%arg11 : memref<1024xf32, #tpu.memory_space<vmem>>)
      tpu.yield
    }) : () -> ()
    %scan3A = arith.constant 0 : i32
    %scan3A_8 = arith.constant 0 : i32
    %scan3A_9 = arith.constant 16 : i32
    %scan3A_10 = arith.addi %scan3A_8, %scan3A_9 : i32
    %scan3A_11 = arith.constant 1 : i32
    scf.for %scan3A_81 = %scan3A_8 to %scan3A_10 step %scan3A_11  : i32 {
      %mul3A_82 = arith.constant 16 : i32
      %mul3A_83 = arith.muli %scan3A_81, %mul3A_82 : i32
      %add3A_84 = arith.constant 0 : i32
      %add3A_85 = arith.addi %add3A_84, %mul3A_83 : i32
      %mul3A_86 = arith.constant 16 : i32
      %mul3A_87 = arith.muli %scan3A_81, %mul3A_86 : i32
      %add3A_88 = vector.broadcast %mul3A_87 : i32 to vector<16xi32>
      %add3A_89 = arith.addi %add3A_88, %iota3A : vector<16xi32>
      %get3A = arith.index_cast %add3A_85 : i32 to index
      %get3A_90 = tpu.vector_load %arg8[%get3A] {strides = array<i32>} : memref<1024xi32, #tpu.memory_space<vmem>>, vector<16xi32>,
      %get3A_91 = arith.index_cast %add3A_85 : i32 to index
      %get3A_92 = tpu.vector_load %arg9[%get3A_91] {strides = array<i32>} : memref<1024xf32, #tpu.memory_space<vmem>>, vector<16xf32>,
      %get3A_93 = arith.index_cast %add3A_85 : i32 to index
      %get3A_94 = tpu.vector_load %arg10[%get3A_93] {strides = array<i32>} : memref<1024xf32, #tpu.memory_space<vmem>>, vector<16xf32>,
      %get3A_95 = arith.index_cast %add3A_85 : i32 to index
      %get3A_96 = tpu.vector_load %arg11[%get3A_95] {strides = array<i32>} : memref<1024xf32, #tpu.memory_space<vmem>>, vector<16xf32>,
      %mul3A_97 = arith.mulf %get3A_92, %get3A_92 : vector<16xf32>
      %mul3A_98 = arith.mulf %get3A_94, %get3A_94 : vector<16xf32>
      %add3A_99 = arith.addf %mul3A_97, %mul3A_98 : vector<16xf32>
      %mul3A_100 = arith.mulf %get3A_96, %get3A_96 : vector<16xf32>
      %add3A_101 = arith.addf %add3A_99, %mul3A_100 : vector<16xf32>
      %max3A = arith.constant 1.000000e-24 : f32
      %max3A_102 = vector.broadcast %max3A : f32 to vector<16xf32>
      %max3A_103 = arith.maximumf %add3A_101, %max3A_102 : vector<16xf32>
      %div3A = arith.divf %add3A_101, %max3A_103 : vector<16xf32>
      tpu.vector_store_idx %arg12[%get3A_90, %add3A_89], %broadcast_in_dim3A_1 : memref<120x256xf32, #tpu.memory_space<vmem>>[vector<16xi32>, vector<16xi32>], vector<16xf32>,
      tpu.vector_store_idx %arg12[%broadcast_in_dim3A_5, %add3A_89], %div3A : memref<120x256xf32, #tpu.memory_space<vmem>>[vector<16xi32>, vector<16xi32>], vector<16xf32>,
    }
    %scan3A_12 = arith.constant 16 : i32
    %add3A_13 = arith.constant 0 : i32
    %add3A_14 = arith.addi %mul3A_7, %add3A_13 : i32
    %dma_start3A = arith.constant 0 : i32
    %dma_start3A_15 = tpu.memref_slice %arg7[%dma_start3A, %add3A_14] : memref<120x100000xf32, #tpu.memory_space<hbm>> -> memref<120x256xf32, #tpu.memory_space<hbm>>
    %dma_start3A_16 = arith.constant 0 : i32
    %dma_start3A_17 = tpu.memref_slice %arg7[%dma_start3A_16, %add3A_14] : memref<120x100000xf32, #tpu.memory_space<hbm>> -> memref<120x256xf32, #tpu.memory_space<hbm>>
    tpu.enqueue_dma source(%arg12 : memref<120x256xf32, #tpu.memory_space<vmem>>) target(%dma_start3A_17 : memref<120x256xf32, #tpu.memory_space<hbm>>) target_semaphore(%arg14 : memref<!tpu.dma_semaphore, #tpu.memory_space<semaphore_mem>>)
    %scan3A_18 = arith.constant 0 : i32
    %scan3A_19 = arith.constant 0 : i32
    %scan3A_20 = arith.constant 16 : i32
    %scan3A_21 = arith.addi %scan3A_19, %scan3A_20 : i32
    %scan3A_22 = arith.constant 1 : i32
    scf.for %scan3A_81 = %scan3A_19 to %scan3A_21 step %scan3A_22  : i32 {
      %mul3A_82 = arith.constant 16 : i32
      %mul3A_83 = arith.muli %scan3A_81, %mul3A_82 : i32
      %add3A_84 = arith.constant 256 : i32
      %add3A_85 = arith.addi %add3A_84, %mul3A_83 : i32
      %mul3A_86 = arith.constant 16 : i32
      %mul3A_87 = arith.muli %scan3A_81, %mul3A_86 : i32
      %add3A_88 = vector.broadcast %mul3A_87 : i32 to vector<16xi32>
      %add3A_89 = arith.addi %add3A_88, %iota3A : vector<16xi32>
      %get3A = arith.index_cast %add3A_85 : i32 to index
      %get3A_90 = tpu.vector_load %arg8[%get3A] {strides = array<i32>} : memref<1024xi32, #tpu.memory_space<vmem>>, vector<16xi32>,
      %get3A_91 = arith.index_cast %add3A_85 : i32 to index
      %get3A_92 = tpu.vector_load %arg9[%get3A_91] {strides = array<i32>} : memref<1024xf32, #tpu.memory_space<vmem>>, vector<16xf32>,
      %get3A_93 = arith.index_cast %add3A_85 : i32 to index
      %get3A_94 = tpu.vector_load %arg10[%get3A_93] {strides = array<i32>} : memref<1024xf32, #tpu.memory_space<vmem>>, vector<16xf32>,
      %get3A_95 = arith.index_cast %add3A_85 : i32 to index
      %get3A_96 = tpu.vector_load %arg11[%get3A_95] {strides = array<i32>} : memref<1024xf32, #tpu.memory_space<vmem>>, vector<16xf32>,
      %mul3A_97 = arith.mulf %get3A_92, %get3A_92 : vector<16xf32>
      %mul3A_98 = arith.mulf %get3A_94, %get3A_94 : vector<16xf32>
      %add3A_99 = arith.addf %mul3A_97, %mul3A_98 : vector<16xf32>
      %mul3A_100 = arith.mulf %get3A_96, %get3A_96 : vector<16xf32>
      %add3A_101 = arith.addf %add3A_99, %mul3A_100 : vector<16xf32>
      %max3A = arith.constant 1.000000e-24 : f32
      %max3A_102 = vector.broadcast %max3A : f32 to vector<16xf32>
      %max3A_103 = arith.maximumf %add3A_101, %max3A_102 : vector<16xf32>
      %div3A = arith.divf %add3A_101, %max3A_103 : vector<16xf32>
      tpu.vector_store_idx %arg13[%get3A_90, %add3A_89], %broadcast_in_dim3A_1 : memref<120x256xf32, #tpu.memory_space<vmem>>[vector<16xi32>, vector<16xi32>], vector<16xf32>,
      tpu.vector_store_idx %arg13[%broadcast_in_dim3A_5, %add3A_89], %div3A : memref<120x256xf32, #tpu.memory_space<vmem>>[vector<16xi32>, vector<16xi32>], vector<16xf32>,
    }
    %scan3A_23 = arith.constant 16 : i32
    %add3A_24 = arith.constant 256 : i32
    %add3A_25 = arith.addi %mul3A_7, %add3A_24 : i32
    %dma_start3A_26 = arith.constant 0 : i32
    %dma_start3A_27 = tpu.memref_slice %arg7[%dma_start3A_26, %add3A_25] : memref<120x100000xf32, #tpu.memory_space<hbm>> -> memref<120x256xf32, #tpu.memory_space<hbm>>
    %dma_start3A_28 = arith.constant 0 : i32
    %dma_start3A_29 = tpu.memref_slice %arg7[%dma_start3A_28, %add3A_25] : memref<120x100000xf32, #tpu.memory_space<hbm>> -> memref<120x256xf32, #tpu.memory_space<hbm>>
    tpu.enqueue_dma source(%arg13 : memref<120x256xf32, #tpu.memory_space<vmem>>) target(%dma_start3A_29 : memref<120x256xf32, #tpu.memory_space<hbm>>) target_semaphore(%arg15 : memref<!tpu.dma_semaphore, #tpu.memory_space<semaphore_mem>>)
    %dma_wait3A = arith.constant 0 : i32
    %dma_wait3A_30 = tpu.memref_slice %arg7[%dma_wait3A, %add3A_14] : memref<120x100000xf32, #tpu.memory_space<hbm>> -> memref<120x256xf32, #tpu.memory_space<hbm>>
    %dma_wait3A_31 = arith.constant 0 : i32
    %dma_wait3A_32 = tpu.memref_slice %arg7[%dma_wait3A_31, %add3A_14] : memref<120x100000xf32, #tpu.memory_space<hbm>> -> memref<120x256xf32, #tpu.memory_space<hbm>>
    tpu.wait_dma2 semaphore(%arg14 : memref<!tpu.dma_semaphore, #tpu.memory_space<semaphore_mem>>) src(%arg12 : memref<120x256xf32, #tpu.memory_space<vmem>>) dst(%dma_wait3A_32 : memref<120x256xf32, #tpu.memory_space<hbm>>)
    %scan3A_33 = arith.constant 0 : i32
    %scan3A_34 = arith.constant 0 : i32
    %scan3A_35 = arith.constant 16 : i32
    %scan3A_36 = arith.addi %scan3A_34, %scan3A_35 : i32
    %scan3A_37 = arith.constant 1 : i32
    scf.for %scan3A_81 = %scan3A_34 to %scan3A_36 step %scan3A_37  : i32 {
      %mul3A_82 = arith.constant 16 : i32
      %mul3A_83 = arith.muli %scan3A_81, %mul3A_82 : i32
      %add3A_84 = arith.constant 0 : i32
      %add3A_85 = arith.addi %add3A_84, %mul3A_83 : i32
      %mul3A_86 = arith.constant 16 : i32
      %mul3A_87 = arith.muli %scan3A_81, %mul3A_86 : i32
      %add3A_88 = vector.broadcast %mul3A_87 : i32 to vector<16xi32>
      %add3A_89 = arith.addi %add3A_88, %iota3A : vector<16xi32>
      %get3A = arith.index_cast %add3A_85 : i32 to index
      %get3A_90 = tpu.vector_load %arg8[%get3A] {strides = array<i32>} : memref<1024xi32, #tpu.memory_space<vmem>>, vector<16xi32>,
      tpu.vector_store_idx %arg12[%get3A_90, %add3A_89], %broadcast_in_dim3A_3 : memref<120x256xf32, #tpu.memory_space<vmem>>[vector<16xi32>, vector<16xi32>], vector<16xf32>,
    }
    %scan3A_38 = arith.constant 16 : i32
    %scan3A_39 = arith.constant 0 : i32
    %scan3A_40 = arith.constant 0 : i32
    %scan3A_41 = arith.constant 16 : i32
    %scan3A_42 = arith.addi %scan3A_40, %scan3A_41 : i32
    %scan3A_43 = arith.constant 1 : i32
    scf.for %scan3A_81 = %scan3A_40 to %scan3A_42 step %scan3A_43  : i32 {
      %mul3A_82 = arith.constant 16 : i32
      %mul3A_83 = arith.muli %scan3A_81, %mul3A_82 : i32
      %add3A_84 = arith.constant 512 : i32
      %add3A_85 = arith.addi %add3A_84, %mul3A_83 : i32
      %mul3A_86 = arith.constant 16 : i32
      %mul3A_87 = arith.muli %scan3A_81, %mul3A_86 : i32
      %add3A_88 = vector.broadcast %mul3A_87 : i32 to vector<16xi32>
      %add3A_89 = arith.addi %add3A_88, %iota3A : vector<16xi32>
      %get3A = arith.index_cast %add3A_85 : i32 to index
      %get3A_90 = tpu.vector_load %arg8[%get3A] {strides = array<i32>} : memref<1024xi32, #tpu.memory_space<vmem>>, vector<16xi32>,
      %get3A_91 = arith.index_cast %add3A_85 : i32 to index
      %get3A_92 = tpu.vector_load %arg9[%get3A_91] {strides = array<i32>} : memref<1024xf32, #tpu.memory_space<vmem>>, vector<16xf32>,
      %get3A_93 = arith.index_cast %add3A_85 : i32 to index
      %get3A_94 = tpu.vector_load %arg10[%get3A_93] {strides = array<i32>} : memref<1024xf32, #tpu.memory_space<vmem>>, vector<16xf32>,
      %get3A_95 = arith.index_cast %add3A_85 : i32 to index
      %get3A_96 = tpu.vector_load %arg11[%get3A_95] {strides = array<i32>} : memref<1024xf32, #tpu.memory_space<vmem>>, vector<16xf32>,
      %mul3A_97 = arith.mulf %get3A_92, %get3A_92 : vector<16xf32>
      %mul3A_98 = arith.mulf %get3A_94, %get3A_94 : vector<16xf32>
      %add3A_99 = arith.addf %mul3A_97, %mul3A_98 : vector<16xf32>
      %mul3A_100 = arith.mulf %get3A_96, %get3A_96 : vector<16xf32>
      %add3A_101 = arith.addf %add3A_99, %mul3A_100 : vector<16xf32>
      %max3A = arith.constant 1.000000e-24 : f32
      %max3A_102 = vector.broadcast %max3A : f32 to vector<16xf32>
      %max3A_103 = arith.maximumf %add3A_101, %max3A_102 : vector<16xf32>
      %div3A = arith.divf %add3A_101, %max3A_103 : vector<16xf32>
      tpu.vector_store_idx %arg12[%get3A_90, %add3A_89], %broadcast_in_dim3A_1 : memref<120x256xf32, #tpu.memory_space<vmem>>[vector<16xi32>, vector<16xi32>], vector<16xf32>,
      tpu.vector_store_idx %arg12[%broadcast_in_dim3A_5, %add3A_89], %div3A : memref<120x256xf32, #tpu.memory_space<vmem>>[vector<16xi32>, vector<16xi32>], vector<16xf32>,
    }
    %scan3A_44 = arith.constant 16 : i32
    %add3A_45 = arith.constant 512 : i32
    %add3A_46 = arith.addi %mul3A_7, %add3A_45 : i32
    %dma_start3A_47 = arith.constant 0 : i32
    %dma_start3A_48 = tpu.memref_slice %arg7[%dma_start3A_47, %add3A_46] : memref<120x100000xf32, #tpu.memory_space<hbm>> -> memref<120x256xf32, #tpu.memory_space<hbm>>
    %dma_start3A_49 = arith.constant 0 : i32
    %dma_start3A_50 = tpu.memref_slice %arg7[%dma_start3A_49, %add3A_46] : memref<120x100000xf32, #tpu.memory_space<hbm>> -> memref<120x256xf32, #tpu.memory_space<hbm>>
    tpu.enqueue_dma source(%arg12 : memref<120x256xf32, #tpu.memory_space<vmem>>) target(%dma_start3A_50 : memref<120x256xf32, #tpu.memory_space<hbm>>) target_semaphore(%arg14 : memref<!tpu.dma_semaphore, #tpu.memory_space<semaphore_mem>>)
    %dma_wait3A_51 = arith.constant 0 : i32
    %dma_wait3A_52 = tpu.memref_slice %arg7[%dma_wait3A_51, %add3A_25] : memref<120x100000xf32, #tpu.memory_space<hbm>> -> memref<120x256xf32, #tpu.memory_space<hbm>>
    %dma_wait3A_53 = arith.constant 0 : i32
    %dma_wait3A_54 = tpu.memref_slice %arg7[%dma_wait3A_53, %add3A_25] : memref<120x100000xf32, #tpu.memory_space<hbm>> -> memref<120x256xf32, #tpu.memory_space<hbm>>
    tpu.wait_dma2 semaphore(%arg15 : memref<!tpu.dma_semaphore, #tpu.memory_space<semaphore_mem>>) src(%arg13 : memref<120x256xf32, #tpu.memory_space<vmem>>) dst(%dma_wait3A_54 : memref<120x256xf32, #tpu.memory_space<hbm>>)
    %scan3A_55 = arith.constant 0 : i32
    %scan3A_56 = arith.constant 0 : i32
    %scan3A_57 = arith.constant 16 : i32
    %scan3A_58 = arith.addi %scan3A_56, %scan3A_57 : i32
    %scan3A_59 = arith.constant 1 : i32
    scf.for %scan3A_81 = %scan3A_56 to %scan3A_58 step %scan3A_59  : i32 {
      %mul3A_82 = arith.constant 16 : i32
      %mul3A_83 = arith.muli %scan3A_81, %mul3A_82 : i32
      %add3A_84 = arith.constant 256 : i32
      %add3A_85 = arith.addi %add3A_84, %mul3A_83 : i32
      %mul3A_86 = arith.constant 16 : i32
      %mul3A_87 = arith.muli %scan3A_81, %mul3A_86 : i32
      %add3A_88 = vector.broadcast %mul3A_87 : i32 to vector<16xi32>
      %add3A_89 = arith.addi %add3A_88, %iota3A : vector<16xi32>
      %get3A = arith.index_cast %add3A_85 : i32 to index
      %get3A_90 = tpu.vector_load %arg8[%get3A] {strides = array<i32>} : memref<1024xi32, #tpu.memory_space<vmem>>, vector<16xi32>,
      tpu.vector_store_idx %arg13[%get3A_90, %add3A_89], %broadcast_in_dim3A_3 : memref<120x256xf32, #tpu.memory_space<vmem>>[vector<16xi32>, vector<16xi32>], vector<16xf32>,
    }
    %scan3A_60 = arith.constant 16 : i32
    %scan3A_61 = arith.constant 0 : i32
    %scan3A_62 = arith.constant 0 : i32
    %scan3A_63 = arith.constant 16 : i32
    %scan3A_64 = arith.addi %scan3A_62, %scan3A_63 : i32
    %scan3A_65 = arith.constant 1 : i32
    scf.for %scan3A_81 = %scan3A_62 to %scan3A_64 step %scan3A_65  : i32 {
      %mul3A_82 = arith.constant 16 : i32
      %mul3A_83 = arith.muli %scan3A_81, %mul3A_82 : i32
      %add3A_84 = arith.constant 768 : i32
      %add3A_85 = arith.addi %add3A_84, %mul3A_83 : i32
      %mul3A_86 = arith.constant 16 : i32
      %mul3A_87 = arith.muli %scan3A_81, %mul3A_86 : i32
      %add3A_88 = vector.broadcast %mul3A_87 : i32 to vector<16xi32>
      %add3A_89 = arith.addi %add3A_88, %iota3A : vector<16xi32>
      %get3A = arith.index_cast %add3A_85 : i32 to index
      %get3A_90 = tpu.vector_load %arg8[%get3A] {strides = array<i32>} : memref<1024xi32, #tpu.memory_space<vmem>>, vector<16xi32>,
      %get3A_91 = arith.index_cast %add3A_85 : i32 to index
      %get3A_92 = tpu.vector_load %arg9[%get3A_91] {strides = array<i32>} : memref<1024xf32, #tpu.memory_space<vmem>>, vector<16xf32>,
      %get3A_93 = arith.index_cast %add3A_85 : i32 to index
      %get3A_94 = tpu.vector_load %arg10[%get3A_93] {strides = array<i32>} : memref<1024xf32, #tpu.memory_space<vmem>>, vector<16xf32>,
      %get3A_95 = arith.index_cast %add3A_85 : i32 to index
      %get3A_96 = tpu.vector_load %arg11[%get3A_95] {strides = array<i32>} : memref<1024xf32, #tpu.memory_space<vmem>>, vector<16xf32>,
      %mul3A_97 = arith.mulf %get3A_92, %get3A_92 : vector<16xf32>
      %mul3A_98 = arith.mulf %get3A_94, %get3A_94 : vector<16xf32>
      %add3A_99 = arith.addf %mul3A_97, %mul3A_98 : vector<16xf32>
      %mul3A_100 = arith.mulf %get3A_96, %get3A_96 : vector<16xf32>
      %add3A_101 = arith.addf %add3A_99, %mul3A_100 : vector<16xf32>
      %max3A = arith.constant 1.000000e-24 : f32
      %max3A_102 = vector.broadcast %max3A : f32 to vector<16xf32>
      %max3A_103 = arith.maximumf %add3A_101, %max3A_102 : vector<16xf32>
      %div3A = arith.divf %add3A_101, %max3A_103 : vector<16xf32>
      tpu.vector_store_idx %arg13[%get3A_90, %add3A_89], %broadcast_in_dim3A_1 : memref<120x256xf32, #tpu.memory_space<vmem>>[vector<16xi32>, vector<16xi32>], vector<16xf32>,
      tpu.vector_store_idx %arg13[%broadcast_in_dim3A_5, %add3A_89], %div3A : memref<120x256xf32, #tpu.memory_space<vmem>>[vector<16xi32>, vector<16xi32>], vector<16xf32>,
    }
    %scan3A_66 = arith.constant 16 : i32
    %add3A_67 = arith.constant 768 : i32
    %add3A_68 = arith.addi %mul3A_7, %add3A_67 : i32
    %dma_start3A_69 = arith.constant 0 : i32
    %dma_start3A_70 = tpu.memref_slice %arg7[%dma_start3A_69, %add3A_68] : memref<120x100000xf32, #tpu.memory_space<hbm>> -> memref<120x256xf32, #tpu.memory_space<hbm>>
    %dma_start3A_71 = arith.constant 0 : i32
    %dma_start3A_72 = tpu.memref_slice %arg7[%dma_start3A_71, %add3A_68] : memref<120x100000xf32, #tpu.memory_space<hbm>> -> memref<120x256xf32, #tpu.memory_space<hbm>>
    tpu.enqueue_dma source(%arg13 : memref<120x256xf32, #tpu.memory_space<vmem>>) target(%dma_start3A_72 : memref<120x256xf32, #tpu.memory_space<hbm>>) target_semaphore(%arg15 : memref<!tpu.dma_semaphore, #tpu.memory_space<semaphore_mem>>)
    %dma_wait3A_73 = arith.constant 0 : i32
    %dma_wait3A_74 = tpu.memref_slice %arg7[%dma_wait3A_73, %add3A_46] : memref<120x100000xf32, #tpu.memory_space<hbm>> -> memref<120x256xf32, #tpu.memory_space<hbm>>
    %dma_wait3A_75 = arith.constant 0 : i32
    %dma_wait3A_76 = tpu.memref_slice %arg7[%dma_wait3A_75, %add3A_46] : memref<120x100000xf32, #tpu.memory_space<hbm>> -> memref<120x256xf32, #tpu.memory_space<hbm>>
    tpu.wait_dma2 semaphore(%arg14 : memref<!tpu.dma_semaphore, #tpu.memory_space<semaphore_mem>>) src(%arg12 : memref<120x256xf32, #tpu.memory_space<vmem>>) dst(%dma_wait3A_76 : memref<120x256xf32, #tpu.memory_space<hbm>>)
    %dma_wait3A_77 = arith.constant 0 : i32
    %dma_wait3A_78 = tpu.memref_slice %arg7[%dma_wait3A_77, %add3A_68] : memref<120x100000xf32, #tpu.memory_space<hbm>> -> memref<120x256xf32, #tpu.memory_space<hbm>>
    %dma_wait3A_79 = arith.constant 0 : i32
    %dma_wait3A_80 = tpu.memref_slice %arg7[%dma_wait3A_79, %add3A_68] : memref<120x100000xf32, #tpu.memory_space<hbm>> -> memref<120x256xf32, #tpu.memory_space<hbm>>
    tpu.wait_dma2 semaphore(%arg15 : memref<!tpu.dma_semaphore, #tpu.memory_space<semaphore_mem>>) src(%arg13 : memref<120x256xf32, #tpu.memory_space<vmem>>) dst(%dma_wait3A_80 : memref<120x256xf32, #tpu.memory_space<hbm>>)
    return
  }
}

module attributes {stable_mosaic.version = 14 : i64} {
  func.func @_tc_body_w(%arg0: i32, %arg1: memref<1x1x8192xi32, #tpu.memory_space<vmem>>, %arg2: memref<1x1x8192xf32, #tpu.memory_space<vmem>>, %arg3: memref<1x1x8192xf32, #tpu.memory_space<vmem>>, %arg4: memref<1x1x8192xf32, #tpu.memory_space<vmem>>, %arg5: memref<120x8192xf32, #tpu.memory_space<vmem>>) attributes {dimension_semantics = [#tpu.dimension_semantics<arbitrary>], iteration_bounds = array<i64: 13>, scalar_prefetch = 0 : i64, scratch_operands = 0 : i64, tpu.core_type = #tpu.core_type<tc>, window_params = [{transform_indices = @transform_0, window_bounds = array<i64: 1, 1, 8192>}, {transform_indices = @transform_1, window_bounds = array<i64: 1, 1, 8192>}, {transform_indices = @transform_2, window_bounds = array<i64: 1, 1, 8192>}, {transform_indices = @transform_3, window_bounds = array<i64: 1, 1, 8192>}, {transform_indices = @transform_4, window_bounds = array<i64: 120, 8192>}]} {
    %get3A = arith.constant 0 : index
    %get3A_0 = arith.constant 0 : index
    %get3A_1 = arith.constant 0 : index
    %get3A_2 = vector.load %arg1[%get3A, %get3A_0, %get3A_1] : memref<1x1x8192xi32, #tpu.memory_space<vmem>>, vector<1x1x8192xi32>
    %get3A_3 = vector.shape_cast %get3A_2 : vector<1x1x8192xi32> to vector<1x8192xi32>
    %iota3A = tpu.iota {dimensions = array<i32: 0>} : vector<120x8192xi32>
    %eq3A = vector.broadcast %get3A_3 : vector<1x8192xi32> to vector<120x8192xi32>
    %eq3A_4 = arith.cmpi eq, %iota3A, %eq3A : vector<120x8192xi32>
    %convert_element_type3A = arith.extui %eq3A_4 : vector<120x8192xi1> to vector<120x8192xi32>
    %convert_element_type3A_5 = arith.sitofp %convert_element_type3A : vector<120x8192xi32> to vector<120x8192xf32>
    %get3A_6 = arith.constant 0 : index
    %get3A_7 = arith.constant 0 : index
    %get3A_8 = arith.constant 0 : index
    %get3A_9 = vector.load %arg2[%get3A_6, %get3A_7, %get3A_8] : memref<1x1x8192xf32, #tpu.memory_space<vmem>>, vector<1x1x8192xf32>
    %get3A_10 = vector.shape_cast %get3A_9 : vector<1x1x8192xf32> to vector<1x8192xf32>
    %get3A_11 = arith.constant 0 : index
    %get3A_12 = arith.constant 0 : index
    %get3A_13 = arith.constant 0 : index
    %get3A_14 = vector.load %arg3[%get3A_11, %get3A_12, %get3A_13] : memref<1x1x8192xf32, #tpu.memory_space<vmem>>, vector<1x1x8192xf32>
    %get3A_15 = vector.shape_cast %get3A_14 : vector<1x1x8192xf32> to vector<1x8192xf32>
    %get3A_16 = arith.constant 0 : index
    %get3A_17 = arith.constant 0 : index
    %get3A_18 = arith.constant 0 : index
    %get3A_19 = vector.load %arg4[%get3A_16, %get3A_17, %get3A_18] : memref<1x1x8192xf32, #tpu.memory_space<vmem>>, vector<1x1x8192xf32>
    %get3A_20 = vector.shape_cast %get3A_19 : vector<1x1x8192xf32> to vector<1x8192xf32>
    %mul3A = arith.mulf %get3A_10, %get3A_10 : vector<1x8192xf32>
    %mul3A_21 = arith.mulf %get3A_15, %get3A_15 : vector<1x8192xf32>
    %add3A = arith.addf %mul3A, %mul3A_21 : vector<1x8192xf32>
    %mul3A_22 = arith.mulf %get3A_20, %get3A_20 : vector<1x8192xf32>
    %add3A_23 = arith.addf %add3A, %mul3A_22 : vector<1x8192xf32>
    %sqrt3A = math.sqrt %add3A_23 : vector<1x8192xf32>
    %max3A = arith.constant 9.99999996E-13 : f32
    %max3A_24 = vector.broadcast %max3A : f32 to vector<1x8192xf32>
    %max3A_25 = arith.maximumf %sqrt3A, %max3A_24 : vector<1x8192xf32>
    %mul3A_26 = arith.mulf %max3A_25, %max3A_25 : vector<1x8192xf32>
    %div3A = arith.divf %add3A_23, %mul3A_26 : vector<1x8192xf32>
    %eq3A_27 = arith.constant 119 : i32
    %eq3A_28 = vector.broadcast %eq3A_27 : i32 to vector<120x8192xi32>
    %eq3A_29 = arith.cmpi eq, %iota3A, %eq3A_28 : vector<120x8192xi32>
    %broadcast_in_dim3A = vector.shape_cast %div3A : vector<1x8192xf32> to vector<1x8192xf32>
    %broadcast_in_dim3A_30 = vector.broadcast %broadcast_in_dim3A : vector<1x8192xf32> to vector<120x8192xf32>
    %select_n3A = arith.select %eq3A_29, %broadcast_in_dim3A_30, %convert_element_type3A_5 : vector<120x8192xi1>, vector<120x8192xf32>
    %swap3A = arith.constant 0 : index
    %swap3A_31 = arith.constant 0 : index
    %swap3A_32 = vector.load %arg5[%swap3A, %swap3A_31] : memref<120x8192xf32, #tpu.memory_space<vmem>>, vector<120x8192xf32>
    tpu.vector_store %arg5[%swap3A, %swap3A_31], %select_n3A {strides = array<i32>} : memref<120x8192xf32, #tpu.memory_space<vmem>>, vector<120x8192xf32>,
    return
  }
  func.func @transform_0(%arg0: i32) -> (i32, i32, i32) {
    %c0_i32 = arith.constant 0 : i32
    %c0_i32_0 = arith.constant 0 : i32
    %c0_i32_1 = arith.constant 0 : i32
    return %arg0, %c0_i32, %c0_i32_0 : i32, i32, i32
  }
  func.func @transform_1(%arg0: i32) -> (i32, i32, i32) {
    %c0_i32 = arith.constant 0 : i32
    %c0_i32_0 = arith.constant 0 : i32
    %c0_i32_1 = arith.constant 0 : i32
    return %arg0, %c0_i32, %c0_i32_0 : i32, i32, i32
  }
  func.func @transform_2(%arg0: i32) -> (i32, i32, i32) {
    %c0_i32 = arith.constant 0 : i32
    %c0_i32_0 = arith.constant 0 : i32
    %c0_i32_1 = arith.constant 0 : i32
    return %arg0, %c0_i32, %c0_i32_0 : i32, i32, i32
  }
  func.func @transform_3(%arg0: i32) -> (i32, i32, i32) {
    %c0_i32 = arith.constant 0 : i32
    %c0_i32_0 = arith.constant 0 : i32
    %c0_i32_1 = arith.constant 0 : i32
    return %arg0, %c0_i32, %c0_i32_0 : i32, i32, i32
  }
  func.func @transform_4(%arg0: i32) -> (i32, i32) {
    %c0_i32 = arith.constant 0 : i32
    %c0_i32_0 = arith.constant 0 : i32
    return %c0_i32, %arg0 : i32, i32
  }
}

module attributes {stable_mosaic.version = 14 : i64} {
  func.func @_tc_tail_body(%arg0: i32, %arg1: memref<1x1x2048xi32, #tpu.memory_space<vmem>>, %arg2: memref<1x1x2048xf32, #tpu.memory_space<vmem>>, %arg3: memref<1x1x2048xf32, #tpu.memory_space<vmem>>, %arg4: memref<1x1x2048xf32, #tpu.memory_space<vmem>>, %arg5: memref<8x128xf32, #tpu.memory_space<vmem>>, %arg6: memref<120x2048xf32, #tpu.memory_space<vmem>>) attributes {dimension_semantics = [#tpu.dimension_semantics<arbitrary>], iteration_bounds = array<i64: 33>, scalar_prefetch = 0 : i64, scratch_operands = 0 : i64, tpu.core_type = #tpu.core_type<tc>, window_params = [{transform_indices = @transform_0, window_bounds = array<i64: 1, 1, 2048>}, {transform_indices = @transform_1, window_bounds = array<i64: 1, 1, 2048>}, {transform_indices = @transform_2, window_bounds = array<i64: 1, 1, 2048>}, {transform_indices = @transform_3, window_bounds = array<i64: 1, 1, 2048>}, {transform_indices = @transform_4, window_bounds = array<i64: 8, 128>}, {transform_indices = @transform_5, window_bounds = array<i64: 120, 2048>}]} {
    %get3A = arith.constant 0 : index
    %get3A_0 = arith.constant 0 : index
    %get3A_1 = arith.constant 0 : index
    %get3A_2 = vector.load %arg1[%get3A, %get3A_0, %get3A_1] : memref<1x1x2048xi32, #tpu.memory_space<vmem>>, vector<1x1x2048xi32>
    %get3A_3 = vector.shape_cast %get3A_2 : vector<1x1x2048xi32> to vector<1x2048xi32>
    %iota3A = tpu.iota {dimensions = array<i32: 0>} : vector<120x2048xi32>
    %eq3A = vector.broadcast %get3A_3 : vector<1x2048xi32> to vector<120x2048xi32>
    %eq3A_4 = arith.cmpi eq, %iota3A, %eq3A : vector<120x2048xi32>
    %convert_element_type3A = arith.extui %eq3A_4 : vector<120x2048xi1> to vector<120x2048xi32>
    %convert_element_type3A_5 = arith.sitofp %convert_element_type3A : vector<120x2048xi32> to vector<120x2048xf32>
    %get3A_6 = arith.constant 0 : index
    %get3A_7 = arith.constant 0 : index
    %get3A_8 = arith.constant 0 : index
    %get3A_9 = vector.load %arg2[%get3A_6, %get3A_7, %get3A_8] : memref<1x1x2048xf32, #tpu.memory_space<vmem>>, vector<1x1x2048xf32>
    %get3A_10 = vector.shape_cast %get3A_9 : vector<1x1x2048xf32> to vector<1x2048xf32>
    %get3A_11 = arith.constant 0 : index
    %get3A_12 = arith.constant 0 : index
    %get3A_13 = arith.constant 0 : index
    %get3A_14 = vector.load %arg3[%get3A_11, %get3A_12, %get3A_13] : memref<1x1x2048xf32, #tpu.memory_space<vmem>>, vector<1x1x2048xf32>
    %get3A_15 = vector.shape_cast %get3A_14 : vector<1x1x2048xf32> to vector<1x2048xf32>
    %get3A_16 = arith.constant 0 : index
    %get3A_17 = arith.constant 0 : index
    %get3A_18 = arith.constant 0 : index
    %get3A_19 = vector.load %arg4[%get3A_16, %get3A_17, %get3A_18] : memref<1x1x2048xf32, #tpu.memory_space<vmem>>, vector<1x1x2048xf32>
    %get3A_20 = vector.shape_cast %get3A_19 : vector<1x1x2048xf32> to vector<1x2048xf32>
    %mul3A = arith.mulf %get3A_10, %get3A_10 : vector<1x2048xf32>
    %mul3A_21 = arith.mulf %get3A_15, %get3A_15 : vector<1x2048xf32>
    %add3A = arith.addf %mul3A, %mul3A_21 : vector<1x2048xf32>
    %mul3A_22 = arith.mulf %get3A_20, %get3A_20 : vector<1x2048xf32>
    %add3A_23 = arith.addf %add3A, %mul3A_22 : vector<1x2048xf32>
    %sqrt3A = math.sqrt %add3A_23 : vector<1x2048xf32>
    %max3A = arith.constant 9.99999996E-13 : f32
    %max3A_24 = vector.broadcast %max3A : f32 to vector<1x2048xf32>
    %max3A_25 = arith.maximumf %sqrt3A, %max3A_24 : vector<1x2048xf32>
    %mul3A_26 = arith.mulf %max3A_25, %max3A_25 : vector<1x2048xf32>
    %div3A = arith.divf %add3A_23, %mul3A_26 : vector<1x2048xf32>
    %eq3A_27 = arith.constant 119 : i32
    %eq3A_28 = vector.broadcast %eq3A_27 : i32 to vector<120x2048xi32>
    %eq3A_29 = arith.cmpi eq, %iota3A, %eq3A_28 : vector<120x2048xi32>
    %broadcast_in_dim3A = vector.shape_cast %div3A : vector<1x2048xf32> to vector<1x2048xf32>
    %broadcast_in_dim3A_30 = vector.broadcast %broadcast_in_dim3A : vector<1x2048xf32> to vector<120x2048xf32>
    %select_n3A = arith.select %eq3A_29, %broadcast_in_dim3A_30, %convert_element_type3A_5 : vector<120x2048xi1>, vector<120x2048xf32>
    %swap3A = arith.constant 0 : index
    %swap3A_31 = arith.constant 0 : index
    %swap3A_32 = vector.load %arg6[%swap3A, %swap3A_31] : memref<120x2048xf32, #tpu.memory_space<vmem>>, vector<120x2048xf32>
    tpu.vector_store %arg6[%swap3A, %swap3A_31], %select_n3A {strides = array<i32>} : memref<120x2048xf32, #tpu.memory_space<vmem>>, vector<120x2048xf32>,
    return
  }
  func.func @transform_0(%arg0: i32) -> (i32, i32, i32) {
    %c0_i32 = arith.constant 0 : i32
    %c0_i32_0 = arith.constant 0 : i32
    %c0_i32_1 = arith.constant 0 : i32
    return %arg0, %c0_i32, %c0_i32_0 : i32, i32, i32
  }
  func.func @transform_1(%arg0: i32) -> (i32, i32, i32) {
    %c0_i32 = arith.constant 0 : i32
    %c0_i32_0 = arith.constant 0 : i32
    %c0_i32_1 = arith.constant 0 : i32
    return %arg0, %c0_i32, %c0_i32_0 : i32, i32, i32
  }
  func.func @transform_2(%arg0: i32) -> (i32, i32, i32) {
    %c0_i32 = arith.constant 0 : i32
    %c0_i32_0 = arith.constant 0 : i32
    %c0_i32_1 = arith.constant 0 : i32
    return %arg0, %c0_i32, %c0_i32_0 : i32, i32, i32
  }
  func.func @transform_3(%arg0: i32) -> (i32, i32, i32) {
    %c0_i32 = arith.constant 0 : i32
    %c0_i32_0 = arith.constant 0 : i32
    %c0_i32_1 = arith.constant 0 : i32
    return %arg0, %c0_i32, %c0_i32_0 : i32, i32, i32
  }
  func.func @transform_4(%arg0: i32) -> (i32, i32) {
    %c0_i32 = arith.constant 0 : i32
    %c0_i32_0 = arith.constant 0 : i32
    %c0_i32_1 = arith.constant 0 : i32
    return %c0_i32, %c0_i32_0 : i32, i32
  }
  func.func @transform_5(%arg0: i32) -> (i32, i32) {
    %add3A = arith.constant 16 : i32
    %add3A_0 = arith.addi %add3A, %arg0 : i32
    %c0_i32 = arith.constant 0 : i32
    %c0_i32_1 = arith.constant 0 : i32
    return %c0_i32, %add3A_0 : i32, i32
  }
}

</mosaic_0001>

<sc_bundles>
// kernel: kernel.5.cloned.1.call-start
scs
__scs_entry_jumppad:
0x0: {  	(pc) =	sbr.rel $0x88, $3  }
0x1: {  	(tag) =	ssettag $0x0;
	lr =	simm.s32 $0x1  }
0x2: {  	[smem:$0x3F9F] =	sst lr;
	_ =	strace $0xD0000000  }
0x3: {  	_ = 	snop  }
0x4: {  	_ = 	snop  }
0x5: {  	_ = 	snop  }
0x6: {  	_ = 	snop  }
0x7: {  	_ = 	snop  }
__scs_overlays_trampoline_lowered:
0x8: {  	[smem:$0x3FAE] =	sst s0  }
0x9: {  	[smem:$0x3FAF] =	sst s1  }
0xa: {  	[smem:$0x3FB0] =	sst s2  }
0xb: {  	[smem:$0x3FB1] =	sst s3  }
0xc: {  	[smem:$0x3FB2] =	sst s4  }
0xd: {  	[smem:$0x3FB3] =	sst s5  }
0xe: {  	[smem:$0x3FB4] =	sst s6  }
0xf: {  	[smem:$0x3FB5] =	sst s7  }
0x10: {  	[smem:$0x3FB6] =	sst s8  }
0x11: {  	[smem:$0x3FB7] =	sst s9;
	s0 =	simm.s32 @!p0 $0x0  }
0x12: {  	s1 =	sld [smem:$0x3F9D];
	s0 =	simm.s32 @p0 $0x1  }
0x13: {  	[smem:$0x3FB8] =	sst s0;
	s0 =	simm.s32 @!p1 $0x0  }
0x14: {  	s2 =	sld [smem:$0x3F9C];
	s0 =	simm.s32 @p1 $0x1  }
0x15: {  	[smem:$0x3FB9] =	sst s0;
	s0 =	simm.s32 @!p2 $0x0  }
0x16: {  	s3 =	sld [smem:$0x3FDB];
	s0 =	simm.s32 @p2 $0x1  }
0x17: {  	s4 =	simm.s32 $0x1BF5;
	[smem:$0x3FBB] =	sst s0  }
0x18: {  	s0 =	sld [smem:$0x3F9E];
	_ =	swait.ge [sflag:s4], $0x0  }
0x19: {  	s7 =	sld [smem:$0x3F9F]  }
0x1a: {  	s8 =	sadd.s32 $0xFFFFE003, lr  }
0x1b: {  	s9 =	sadd.s32 $0xFFFFFEF7, lr;
	s5 =	simm.s32 $0xFFFFFFFF;
	p2 =	slt.u32 s8, $0xFFFFF086  }
0x1c: {  	p1 =	slt.u32 s9, $0xF7A;
	s5 =	simm.s32 @!p2 $0x0  }
0x1d: {  	s5 =	simm.s32 @p1 $0x1;
	p0 =	seq.s32 s7, s2  }
0x1e: {  	s7 =	smul.u32 @!p0 $0xF7A, s2;
	p2 =	seq.s32 @!p0 s5, $0x0  }
0x1f: {  	s9 =	smul.u32 $0xF7A, s1;
	s8 =	simm.s32 @!p0 $0x1BF5;
	p2 =	por !p2, p0  }
0x20: {  	[sflag:s8] =	ssyncset.s32 @!p0 $0xFFFFF086;
	s6 =	sadd.s32 @!p0 s3, s7;
	s7 =	simm.s32 @!p0 $0x108  }
0x21: {  	s3 =	sadd.s32 s3, s9;
	s6 =	sadd.s32 @!p0 $0x88, s6;
	s7 =	simm.s32 @p2 $0x1082  }
0x22: {  	[simem:s7], [sflag:s8] =	dma.local @!p0 [hbm:s6], $0xF7A  }
0x23: {  	s9 =	sor.u32 $0xD0000000, s2;
	s6 =	simm.s32 $0x108;
	_ =	swait.ge @!p0 [sflag:s8], $0x0  }
0x24: {  	s3 =	sadd.s32 $0x88, s3;
	s6 =	simm.s32 @!p1 $0x1082;
	[sflag:s4] =	ssyncset.s32 $0xFFFFF086  }
0x25: {  	[simem:s6], [sflag:s4] =	dma.local [hbm:s3], $0xF7A  }
0x26: {  	[smem:$0x3F9F] =	sst s1;
	(tag) =	ssettag s2;
	_ =	strace s9  }
0x27: {  	s1 =	sld [smem:$0x3FAF]  }
0x28: {  	s2 =	sld [smem:$0x3FB0]  }
0x29: {  	s4 =	sld [smem:$0x3FB2]  }
0x2a: {  	p0 =	seq.s32 s5, $0x0;
	s5 =	sld [smem:$0x3FB3]  }
0x2b: {  	s6 =	sld [smem:$0x3FB4]  }
0x2c: {  	s7 =	sld [smem:$0x3FB5]  }
0x2d: {  	s3 =	simm.s32 $0x108;
	s8 =	sld [smem:$0x3FB6]  }
0x2e: {  	s3 =	simm.s32 @!p0 $0x1082;
	s9 =	sld [smem:$0x3FB7]  }
0x2f: {  	lr =	sadd.s32 s0, s3;
	s0 =	sld [smem:$0x3FAE]  }
0x30: {  	s3 =	sld [smem:$0x3FB1]  }
0x31: {  	[smem:$0x3FBA] =	sst s10  }
0x32: {  	s10 =	sld [smem:$0x3FB8];
	_ =	sdelay $0x3  }
0x33: {  	p0 =	seq.s32 s10, $0x1;
	s10 =	sld [smem:$0x3FBA];
	_ =	sdelay $0x3  }
0x34: {  	[smem:$0x3FBA] =	sst s10  }
0x35: {  	s10 =	sld [smem:$0x3FB9];
	_ =	sdelay $0x3  }
0x36: {  	p1 =	seq.s32 s10, $0x1;
	s10 =	sld [smem:$0x3FBA];
	_ =	sdelay $0x3  }
0x37: {  	[smem:$0x3FBA] =	sst s10  }
0x38: {  	s10 =	sld [smem:$0x3FBB]  }
0x39: {  	_ = 	snop;
	(pc) =	sbr.ind lr, $3  }
0x3a: {  	_ = 	snop  }
0x3b: {  	_ = 	snop  }
0x3c: {  	p2 =	seq.s32 s10, $0x1;
	s10 =	sld [smem:$0x3FBA]  }
0x3d: {  	_ =	shalt  }
0x3e: {  	_ =	shalt  }
0x3f: {  	_ =	shalt  }
0x40: {  	_ =	shalt  }
0x41: {  	_ =	shalt  }
0x42: {  	_ =	shalt  }
0x43: {  	_ =	shalt  }
0x44: {  	_ =	shalt  }
0x45: {  	_ =	shalt  }
0x46: {  	_ =	shalt  }
0x47: {  	_ =	shalt  }
0x48: {  	_ =	shalt  }
0x49: {  	_ =	shalt  }
0x4a: {  	_ =	shalt  }
0x4b: {  	_ =	shalt  }
0x4c: {  	_ =	shalt  }
0x4d: {  	_ =	shalt  }
0x4e: {  	_ =	shalt  }
0x4f: {  	_ =	shalt  }
0x50: {  	_ =	shalt  }
0x51: {  	_ =	shalt  }
0x52: {  	_ =	shalt  }
0x53: {  	_ =	shalt  }
0x54: {  	_ =	shalt  }
0x55: {  	_ =	shalt  }
0x56: {  	_ =	shalt  }
0x57: {  	_ =	shalt  }
0x58: {  	_ =	shalt  }
0x59: {  	_ =	shalt  }
0x5a: {  	_ =	shalt  }
0x5b: {  	_ =	shalt  }
0x5c: {  	_ =	shalt  }
0x5d: {  	_ =	shalt  }
0x5e: {  	_ =	shalt  }
0x5f: {  	_ =	shalt  }
0x60: {  	_ =	shalt  }
0x61: {  	_ =	shalt  }
0x62: {  	_ =	shalt  }
0x63: {  	_ =	shalt  }
0x64: {  	_ =	shalt  }
0x65: {  	_ =	shalt  }
0x66: {  	_ =	shalt  }
0x67: {  	_ =	shalt  }
0x68: {  	_ =	shalt  }
0x69: {  	_ =	shalt  }
0x6a: {  	_ =	shalt  }
0x6b: {  	_ =	shalt  }
0x6c: {  	_ =	shalt  }
0x6d: {  	_ =	shalt  }
0x6e: {  	_ =	shalt  }
0x6f: {  	_ =	shalt  }
0x70: {  	_ =	shalt  }
0x71: {  	_ =	shalt  }
0x72: {  	_ =	shalt  }
0x73: {  	_ =	shalt  }
0x74: {  	_ =	shalt  }
0x75: {  	_ =	shalt  }
0x76: {  	_ =	shalt  }
0x77: {  	_ =	shalt  }
0x78: {  	_ =	shalt  }
0x79: {  	_ =	shalt  }
0x7a: {  	_ =	shalt  }
0x7b: {  	_ =	shalt  }
0x7c: {  	_ =	shalt  }
0x7d: {  	_ =	shalt  }
0x7e: {  	_ =	shalt  }
0x7f: {  	_ =	shalt  }
0x80: {  	_ =	shalt  }
0x81: {  	_ =	shalt  }
0x82: {  	_ =	shalt  }
0x83: {  	_ =	shalt  }
0x84: {  	_ =	shalt  }
0x85: {  	_ =	shalt  }
0x86: {  	_ =	shalt  }
0x87: {  	_ =	shalt  }
.Lfunc_end0:
.L_simem_size_0:
called_computation_lowered:
.L_overlay_start_0:
0x88: {  	s2 =	sld [smem:$0x3FD9]  }
0x89: {  	s3 =	sld [smem:$0x3FFE];
	_ =	sdelay $0x1  }
0x8a: {  	s1 =	srdreg.scid  }
0x8b: {  	s0 =	sand.u32 $0x1, s1  }
0x8c: {  	s14 =	sshll.u32 s0, $0xA;
	s2 =	sadd.s32 s3, s2  }
0x8d: {  	s2 =	sadd.s32 s2, s14  }
0x8e: {  	[smem:$0x3FC6] =	sst s2  }
0x8f: {  	_ = 	snop  }
0x90: {  	s2 =	sld [smem:$0x3FD0];
	_ =	sdelay $0x2  }
0x91: {  	s15 =	simm.s32 $0xA;
	s4 =	simm.s32 $0x10  }
0x92: {  	[smem:s4], [sflag:s15] =	dma.local [hbm:s2], $0x1  }
0x93: {  	_ =	swait.eq [sflag:s15], $0x1  }
0x94: {  	[sflag:s15] =	ssyncset.done $0x0  }
0x95: {  	s16 =	sld [smem:$0x11];
	[sflag:s15] =	ssyncadd.s32 $0xFFFFFFFF  }
0x96: {  	s17 =	sld [smem:$0x12];
	(tm) =	ssettm $0x1  }
0x97: {  	s18 =	sld [smem:$0x3FFB];
	_ =	sdelay $0x3  }
0x98: {  	_ =	strace s18  }
0x99: {  	s4 =	sld [smem:$0x3FFC];
	_ =	sdelay $0x3  }
0x9a: {  	_ =	strace s4  }
0x9b: {  	s4 =	sld [smem:$0x3FFD];
	_ =	sdelay $0x3  }
0x9c: {  	_ =	strace s4  }
0x9d: {  	_ =	strace $0x8FFFFFFF  }
0x9e: {  	s19 =	sld [smem:$0x3FDB];
	_ =	sdelay $0x1  }
0x9f: {  	s5 =	simm.s32 $_scs_section_size  }
0xa0: {  	s6 =	simm.s32 $_size__tile_overlayer_lowered;
	s7 =	simm.s32 $_tile_overlayer_lowered  }
0xa1: {  	s22 =	simm.s32 $0x1BFF;
	s21 =	sshll.u32 s7, $0x1;
	s4 =	sadd.s32 s5, s19  }
0xa2: {  	s8 =	simm.s32 $0x0;
	s20 =	sshll.u32 s6, $0x1;
	s6 =	sadd.s32 s21, s4  }
0xa3: {  	[timem:s8], [sflag:s22] =	dma.local [hbm:s6], s20  }
0xa4: {  	_ =	swait.ge [sflag:s22], s20  }
0xa5: {  	s5 =	ssub.s32 $0x0, s20;
	[sflag:s22] =	ssyncset.done $0x0  }
0xa6: {  	[sflag:s22] =	ssyncadd.s32 s5;
	_ =	sdelay $0x1  }
0xa7: {  	s23 =	simm.s32 $0x1B8B  }
0xa8: {  	_ =	swait.ge [sflag:s23], $0x1  }
0xa9: {  	[sflag:s23] =	ssyncset.done $0x0  }
0xaa: {  	s25 =	simm.s32 $0x1B8E;
	s24 =	sld [smem:$0x3FFE];
	[sflag:s23] =	ssyncadd.s32 $0xFFFFFFFF  }
0xab: {  	s26 =	simm.s32 $execute0_lowered;
	[smem:$0x3FD2] =	sst s25  }
0xac: {  	s6 =	sshll.u32 s26, $0x1;
	_ =	strace $0x80000046;
	[dreg:$0x1] =	wrdreg $0xFFFFFFFF  }
0xad: {  	s28 =	simm.s32 $_size_execute0_lowered;
	s4 =	sadd.s32 s4, s6;
	[dreg:$0x0] =	wrdreg $0x0  }
0xae: {  	s6 =	sshll.u32 s28, $0x1;
	[dreg:$0x2] =	wrdreg s4  }
0xaf: {  	[dreg:$0x3] =	wrdreg s6  }
0xb0: {  	[dreg:$0x4] =	wrdreg $0xC0  }
0xb1: {  	_ =	task [dreg:s8], $0x5FFFF  }
0xb2: {  	[dreg:$0x1] =	wrdreg $0xFFFFFFFF  }
0xb3: {  	[dreg:$0x0] =	wrdreg $0x60  }
0xb4: {  	[dreg:$0x2] =	wrdreg s17  }
0xb5: {  	[dreg:$0x3] =	wrdreg s24  }
0xb6: {  	[dreg:$0x4] =	wrdreg s16  }
0xb7: {  	[dreg:$0x5] =	wrdreg $0x9  }
0xb8: {  	_ =	task.clear_ibuf [dreg:s8], $0x6FFFF;
	_ =	strace $0x90000046  }
0xb9: {  	s29 =	simm.s32 $0x9;
	_ =	strace $0x80000048  }
0xba: {  	_ =	swait.ge [sflag:s29], $0x1  }
0xbb: {  	[sflag:s29] =	ssyncadd.s32 $0xFFFFFFFF  }
0xbc: {  	_ =	strace $0x90000048  }
0xbd: {  	_ =	sfence  }
0xbe: {  	s30 =	sld [smem:$0x0];
	_ =	sdelay $0x2  }
0xbf: {  	s31 =	sshll.u32 s1, $0xD;
	s1 =	sshrl.u32 s1, $0x2  }
0xc0: {  	s3 =	sand.u32 $0x4000, s31;
	s1 =	sadd.s32 s1, s30  }
0xc1: {  	s0 =	sor.u32 s3, s0;
	s1 =	sshll.u32 s1, $0x11  }
0xc2: {  	s0 =	sor.u32 s1, s0  }
0xc3: {  	s0 =	sadd.s32 $0x8F2B, s0  }
0xc4: {  	[sflag:s0] =	ssyncadd.remote.s32 $0x1  }
0xc5: {  	_ =	sfence.sel $0xFFFF  }
0xc6: {  	[dreg:$0x0] =	wrdreg $0xFFFFFFFF;
	(pc) =	sbr.abs _section_cstart, $3  }
0xc7: {  	[dreg:$0x1] =	wrdreg $0xFFFFFFFF  }
0xc8: {  	_ =	task.clear_ibuf [dreg:s8], $0x2FFFF;
	_ =	strace $0x9FFFFFFF  }
0xc9: {  	(tm) =	ssettm $0x7FFFFFFF  }
tec
execute0_lowered:
.L_overlay_start_1:
0x0: {  	(tag) =	ssettag $0x1  }
0x1: {  	s4 =	rddreg [dreg:$0x0]  }
0x2: {  	s5 =	rddreg [dreg:$0x1]  }
0x3: {  	s8 =	rddreg [dreg:$0x2]  }
0x4: {  	s0 =	rddreg [dreg:$0x3];
	s3 =	srdreg.scid  }
0x5: {  	s2 =	simm.s32 $0x0;
	s1 =	stileid.u32;
	s13 =	simm.s32 $0x1000  }
0x6: {  	s14 =	simm.s32 $0x3;
	s15 =	simm.s32 $0x8800;
	s16 =	simm.s32 $0x800  }
0x7: {  	s17 =	simm.s32 $0xC3800;
	s18 =	simm.s32 $0x1;
	s19 =	simm.s32 $0x2  }
0x8: {  	s20 =	simm.s32 $0x0;
	s3 =	sand.u32 $0x1, s3;
	[smem:$0x7FF] =	sst s2  }
0x9: {  	s6 =	sshll.u32 s1, $0xB;
	s7 =	sshll.u32 s3, $0xA;
	s9 =	ssub.s32 $0x2, s3  }
0xa: {  	_ =	strace $0x80000047;
	s10 =	sor.u32 s7, s6;
	s31 =	sshrl.u32 s9, $0x1  }
0xb: {  	s3 =	sadd.s32 $0x9600, s5;
	s7 =	sshrl.u32 s10, $0x3;
	s12 =	ssub.s32 s9, s31  }
0xc: {  	s8 =	sadd.s32 s8, s10;
	s4 =	sadd.s32 s4, s7;
	s5 =	sadd.s32 s5, s7  }
0xd: {  	s9 =	sadd.s32 $0x100, s8;
	s10 =	sadd.s32 $0x200, s8;
	s11 =	sadd.s32 $0x300, s8  }
0xe: {  	v0 =	vlaneseq.u32;
	v1 =	vimm.f32 $1.000000000e+00;
	v2 =	vimm.f32 $0.0e+00;
	s12 =	smax.u32 s12, $0x1;
	s6 =	sadd.s32 $0x6400, s5;
	s7 =	sadd.s32 $0x3200, s5  }
.LBB2_1:
0xf: {  	[tilespmem:s13], [sflag:$0x3] =	stream.linear.gather [hbm4b:s3+s2], $0x7800, $0x38;
	[tilespmem:$0x10000] =	vst v63  }
0x10: {  	_ =	swait.ge [sflag:s14], $0x7800  }
0x11: {  	[sflag:s14] =	ssyncset.done $0x0  }
0x12: {  	[sflag:s14] =	ssyncadd.s32 $0xFFFF8800  }
0x13: {  	[tilespmem:s15], [sflag:$0x3] =	stream.linear.gather [hbm4b:s3+s2], $0x7800, $0x38;
	[tilespmem:$0x10000] =	vst v63  }
0x14: {  	_ =	swait.ge [sflag:s14], $0x7800  }
0x15: {  	[sflag:s14] =	ssyncset.done $0x0  }
0x16: {  	[sflag:s14] =	ssyncadd.s32 $0xFFFF8800  }
0x17: {  	[tilespmem:s2], [sflag:$0x3] =	stream.linear.gather [hbm4b:s4+s2], $0x400, $0x38;
	[tilespmem:$0x10000] =	vst v63  }
0x18: {  	_ =	swait.ge [sflag:s14], $0x400  }
0x19: {  	[sflag:s14] =	ssyncset.done $0x0  }
0x1a: {  	s22 =	simm.s32 $0x400;
	[sflag:s14] =	ssyncadd.s32 $0xFFFFFC00  }
0x1b: {  	[tilespmem:s22], [sflag:$0x3] =	stream.linear.gather [hbm4b:s6+s2], $0x400, $0x38;
	[tilespmem:$0x10000] =	vst v63  }
0x1c: {  	_ =	swait.ge [sflag:s14], $0x400  }
0x1d: {  	[sflag:s14] =	ssyncset.done $0x0  }
0x1e: {  	[sflag:s14] =	ssyncadd.s32 $0xFFFFFC00  }
0x1f: {  	[tilespmem:s16], [sflag:$0x3] =	stream.linear.gather [hbm4b:s7+s2], $0x400, $0x38;
	[tilespmem:$0x10000] =	vst v63  }
0x20: {  	_ =	swait.ge [sflag:s14], $0x400  }
0x21: {  	[sflag:s14] =	ssyncset.done $0x0  }
0x22: {  	s21 =	simm.s32 $0xC00;
	[sflag:s14] =	ssyncadd.s32 $0xFFFFFC00  }
0x23: {  	[tilespmem:s21], [sflag:$0x3] =	stream.linear.gather [hbm4b:s5+s2], $0x400, $0x38;
	[tilespmem:$0x10000] =	vst v63  }
0x24: {  	_ =	swait.ge [sflag:s14], $0x400  }
0x25: {  	[sflag:s14] =	ssyncset.done $0x0  }
0x26: {  	[sflag:s14] =	ssyncadd.s32 $0xFFFFFC00  }
0x27: {  	v3 =	vld [tilespmem:s22+$0x0]  }
0x28: {  	v4 =	vld [tilespmem:s16+$0x0];
	_ =	sdelay $0x1  }
0x29: {  	v5 =	vld [tilespmem:s21+$0x0];
	_ =	sdelay $0x2  }
0x2a: {  	v3 =	vmul.f32 v3, v3;
	v4 =	vmul.f32 v4, v4;
	_ =	sdelay $0x1  }
0x2b: {  	v3 =	vadd.f32 v4, v3;
	v4 =	vmul.f32 v5, v5;
	_ =	sdelay $0x1  }
0x2c: {  	v5 =	vld [tilespmem:s2+$0x0];
	v3 =	vadd.f32 v4, v3;
	_ =	sdelay $0x1  }
0x2d: {  	v4 =	vmax.f32 v3, $1.000000020e-24  }
0x2e: {  	(erf) = vrcp.f32 v4  }
0x2f: {  	v4 =	vmov s2  }
0x30: {  	v6 =	vshll.u32 v5, $0x7;
	v4 =	vshll.u32 v4, $0x3  }
0x31: {  	v5 =	vshll.u32 v5, $0x8;
	v6 =	vand.u32 $0x380, v6;
	v7 =	vand.u32 $0x400, v4  }
0x32: {  	v8 =	vor.u32 s2, v0;
	v5 =	vand.u32 $0xFFFFF800, v5;
	v6 =	vor.u32 v6, v7  }
0x33: {  	v7 =	vand.u32 $0x7F, v8;
	v5 =	vor.u32 v5, v6  }
0x34: {  	v4 =	vor.u32 v7, v4;
	v5 =	vor.u32 v7, v5  }
0x35: {  	v4 =	vor.u32 $0x7380, v4;
	_ =	sdelay $0x1  }
0x36: {  	v6 =	vpop (erf)  }
0x37: {  	v3 =	vmul.f32 v6, v3  }
0x38: {  	[tilespmem:v5+s13+$0x0] =	vst.idx.msk $0xffff, v1  }
0x39: {  	s24 =	simm.s32 $0x410;
	[tilespmem:v4+s13+$0x0] =	vst.idx.msk $0xffff, v3  }
0x3a: {  	s25 =	simm.s32 $0x810;
	v3 =	vld [tilespmem:s24+$0x0]  }
0x3b: {  	s26 =	simm.s32 $0x20;
	s23 =	simm.s32 $0x0;
	s22 =	simm.s32 $0x10;
	v4 =	vld [tilespmem:s25+$0x0]  }
.LBB2_2:
0x3c: {  	p0 =	sne.s32 s26, $0xF0;
	s21 =	sadd.s32 $0x10, s21  }
0x3d: {  	v5 =	vld [tilespmem:s21+$0x0];
	_ =	sdelay $0x2  }
0x3e: {  	v3 =	vmul.f32 v3, v3;
	v4 =	vmul.f32 v4, v4;
	_ =	sdelay $0x1  }
0x3f: {  	v3 =	vadd.f32 v4, v3;
	v4 =	vmul.f32 v5, v5  }
0x40: {  	s23 =	sadd.s32 $0x10, s23  }
0x41: {  	v5 =	vld [tilespmem:s23+$0x0];
	v3 =	vadd.f32 v4, v3;
	_ =	sdelay $0x1  }
0x42: {  	v4 =	vmax.f32 v3, $1.000000020e-24  }
0x43: {  	(erf) = vrcp.f32 v4  }
0x44: {  	v4 =	vmov s22  }
0x45: {  	v4 =	vshll.u32 v4, $0x3;
	v6 =	vshll.u32 v5, $0x7  }
0x46: {  	v5 =	vshll.u32 v5, $0x8;
	v7 =	vand.u32 $0x400, v4;
	v6 =	vand.u32 $0x380, v6  }
0x47: {  	v8 =	vor.u32 s22, v0;
	s22 =	smov.u32 s26;
	v5 =	vand.u32 $0xFFFFF800, v5;
	v6 =	vor.u32 v6, v7  }
0x48: {  	v7 =	vand.u32 $0x7F, v8;
	v5 =	vor.u32 v5, v6  }
0x49: {  	v4 =	vor.u32 v7, v4;
	v5 =	vor.u32 v7, v5  }
0x4a: {  	v4 =	vor.u32 $0x7380, v4;
	_ =	sdelay $0x1  }
0x4b: {  	v6 =	vpop (erf)  }
.Ltmp0:
0x4c: {  	v3 =	vmul.f32 v6, v3;
	(pc) =	sbr.rel @p0 .LBB2_2-.Ltmp0, $4  }
0x4d: {  	[tilespmem:v5+s13+$0x0] =	vst.idx.msk $0xffff, v1  }
0x4e: {  	s24 =	sadd.s32 $0x10, s24;
	[tilespmem:v4+s13+$0x0] =	vst.idx.msk $0xffff, v3  }
0x4f: {  	s25 =	sadd.s32 $0x10, s25;
	v3 =	vld [tilespmem:s24+$0x0]  }
0x50: {  	s26 =	sadd.s32 $0x10, s26;
	v4 =	vld [tilespmem:s25+$0x0]  }
0x51: {  	s21 =	sadd.s32 $0x10, s21  }
0x52: {  	v5 =	vld [tilespmem:s21+$0x0];
	_ =	sdelay $0x2  }
0x53: {  	v3 =	vmul.f32 v3, v3;
	v4 =	vmul.f32 v4, v4;
	_ =	sdelay $0x1  }
0x54: {  	v3 =	vadd.f32 v4, v3;
	v4 =	vmul.f32 v5, v5  }
0x55: {  	s28 =	sadd.s32 $0x10, s23  }
0x56: {  	v5 =	vld [tilespmem:s28+$0x0];
	v3 =	vadd.f32 v4, v3;
	_ =	sdelay $0x1  }
0x57: {  	v4 =	vmax.f32 v3, $1.000000020e-24  }
0x58: {  	(erf) = vrcp.f32 v4  }
0x59: {  	v4 =	vmov s22  }
0x5a: {  	v6 =	vshll.u32 v5, $0x7;
	v4 =	vshll.u32 v4, $0x3  }
0x5b: {  	v5 =	vshll.u32 v5, $0x8;
	v6 =	vand.u32 $0x380, v6;
	v7 =	vand.u32 $0x400, v4  }
0x5c: {  	v8 =	vor.u32 s22, v0;
	v5 =	vand.u32 $0xFFFFF800, v5;
	v6 =	vor.u32 v6, v7  }
0x5d: {  	v7 =	vand.u32 $0x7F, v8;
	v5 =	vor.u32 v5, v6  }
0x5e: {  	v4 =	vor.u32 v7, v4;
	v5 =	vor.u32 v7, v5  }
0x5f: {  	v4 =	vor.u32 $0x7380, v4;
	_ =	sdelay $0x1  }
0x60: {  	v6 =	vpop (erf)  }
0x61: {  	v3 =	vmul.f32 v6, v3  }
0x62: {  	[tilespmem:v5+s13+$0x0] =	vst.idx.msk $0xffff, v1  }
0x63: {  	s29 =	simm.s32 $0x500;
	[tilespmem:v4+s13+$0x0] =	vst.idx.msk $0xffff, v3  }
0x64: {  	[hbm4b:s8+s16] =	stream.strided.scatter [tilespmem:s13], [sflag:$0x1], $0x7800, s17, s16, $0x38;
	[tilespmem:$0x10000] =	vst v63  }
0x65: {  	s30 =	simm.s32 $0x900;
	v3 =	vld [tilespmem:s29+$0x0]  }
0x66: {  	v4 =	vld [tilespmem:s30+$0x0]  }
0x67: {  	s21 =	simm.s32 $0xD00  }
0x68: {  	v5 =	vld [tilespmem:s21+$0x0];
	_ =	sdelay $0x2  }
0x69: {  	v3 =	vmul.f32 v3, v3;
	v4 =	vmul.f32 v4, v4;
	_ =	sdelay $0x1  }
0x6a: {  	v3 =	vadd.f32 v4, v3;
	v4 =	vmul.f32 v5, v5  }
0x6b: {  	s22 =	simm.s32 $0x100  }
0x6c: {  	v5 =	vld [tilespmem:s22+$0x0];
	v3 =	vadd.f32 v4, v3;
	_ =	sdelay $0x1  }
0x6d: {  	v4 =	vmax.f32 v3, $1.000000020e-24  }
0x6e: {  	s31 =	simm.s32 $0x0;
	(erf) = vrcp.f32 v4  }
0x6f: {  	v4 =	vmov s31  }
0x70: {  	v6 =	vshll.u32 v5, $0x7;
	v4 =	vshll.u32 v4, $0x3  }
0x71: {  	v5 =	vshll.u32 v5, $0x8;
	v6 =	vand.u32 $0x380, v6;
	v7 =	vand.u32 $0x400, v4  }
0x72: {  	v63 =	vor.u32 s31, v0;
	v5 =	vand.u32 $0xFFFFF800, v5;
	v6 =	vor.u32 v6, v7  }
0x73: {  	v7 =	vand.u32 $0x7F, v63;
	v5 =	vor.u32 v5, v6  }
0x74: {  	v4 =	vor.u32 v7, v4;
	v5 =	vor.u32 v7, v5  }
0x75: {  	v4 =	vor.u32 $0x7380, v4;
	_ =	sdelay $0x1  }
0x76: {  	v6 =	vpop (erf)  }
0x77: {  	v3 =	vmul.f32 v6, v3  }
0x78: {  	[tilespmem:v5+s15+$0x0] =	vst.idx.msk $0xffff, v1  }
0x79: {  	s24 =	simm.s32 $0x510;
	[tilespmem:v4+s15+$0x0] =	vst.idx.msk $0xffff, v3  }
0x7a: {  	s25 =	simm.s32 $0x910;
	v3 =	vld [tilespmem:s24+$0x0]  }
0x7b: {  	s23 =	simm.s32 $0x10;
	s26 =	simm.s32 $0x20;
	v4 =	vld [tilespmem:s25+$0x0]  }
.LBB2_4:
0x7c: {  	p0 =	sne.s32 s26, $0xF0;
	s21 =	sadd.s32 $0x10, s21  }
0x7d: {  	v5 =	vld [tilespmem:s21+$0x0];
	_ =	sdelay $0x2  }
0x7e: {  	v3 =	vmul.f32 v3, v3;
	v4 =	vmul.f32 v4, v4;
	_ =	sdelay $0x1  }
0x7f: {  	v3 =	vadd.f32 v4, v3;
	v4 =	vmul.f32 v5, v5  }
0x80: {  	s22 =	sadd.s32 $0x10, s22  }
0x81: {  	v5 =	vld [tilespmem:s22+$0x0];
	v3 =	vadd.f32 v4, v3;
	_ =	sdelay $0x1  }
0x82: {  	v4 =	vmax.f32 v3, $1.000000020e-24  }
0x83: {  	(erf) = vrcp.f32 v4  }
0x84: {  	v4 =	vmov s23  }
0x85: {  	v4 =	vshll.u32 v4, $0x3;
	v6 =	vshll.u32 v5, $0x7  }
0x86: {  	v5 =	vshll.u32 v5, $0x8;
	v7 =	vand.u32 $0x400, v4;
	v6 =	vand.u32 $0x380, v6  }
0x87: {  	v8 =	vor.u32 s23, v0;
	s23 =	smov.u32 s26;
	v5 =	vand.u32 $0xFFFFF800, v5;
	v6 =	vor.u32 v6, v7  }
0x88: {  	v7 =	vand.u32 $0x7F, v8;
	v5 =	vor.u32 v5, v6  }
0x89: {  	v4 =	vor.u32 v7, v4;
	v5 =	vor.u32 v7, v5  }
0x8a: {  	v4 =	vor.u32 $0x7380, v4;
	_ =	sdelay $0x1  }
0x8b: {  	v6 =	vpop (erf)  }
.Ltmp1:
0x8c: {  	v3 =	vmul.f32 v6, v3;
	(pc) =	sbr.rel @p0 .LBB2_4-.Ltmp1, $4  }
0x8d: {  	[tilespmem:v5+s15+$0x0] =	vst.idx.msk $0xffff, v1  }
0x8e: {  	s24 =	sadd.s32 $0x10, s24;
	[tilespmem:v4+s15+$0x0] =	vst.idx.msk $0xffff, v3  }
0x8f: {  	s25 =	sadd.s32 $0x10, s25;
	v3 =	vld [tilespmem:s24+$0x0]  }
0x90: {  	s26 =	sadd.s32 $0x10, s26;
	v4 =	vld [tilespmem:s25+$0x0]  }
0x91: {  	s21 =	sadd.s32 $0x10, s21  }
0x92: {  	v5 =	vld [tilespmem:s21+$0x0];
	_ =	sdelay $0x2  }
0x93: {  	v3 =	vmul.f32 v3, v3;
	v4 =	vmul.f32 v4, v4;
	_ =	sdelay $0x1  }
0x94: {  	v3 =	vadd.f32 v4, v3;
	v59 =	vmul.f32 v5, v5  }
0x95: {  	s31 =	sadd.s32 $0x10, s22  }
0x96: {  	v60 =	vld [tilespmem:s31+$0x0];
	v3 =	vadd.f32 v59, v3;
	_ =	sdelay $0x1  }
0x97: {  	v4 =	vmax.f32 v3, $1.000000020e-24  }
0x98: {  	(erf) = vrcp.f32 v4  }
0x99: {  	v61 =	vmov s23  }
0x9a: {  	v6 =	vshll.u32 v60, $0x7;
	v4 =	vshll.u32 v61, $0x3  }
0x9b: {  	v5 =	vshll.u32 v60, $0x8;
	v6 =	vand.u32 $0x380, v6;
	v7 =	vand.u32 $0x400, v4  }
0x9c: {  	v8 =	vor.u32 s23, v0;
	v5 =	vand.u32 $0xFFFFF800, v5;
	v6 =	vor.u32 v6, v7  }
0x9d: {  	v62 =	vand.u32 $0x7F, v8;
	v5 =	vor.u32 v5, v6  }
0x9e: {  	v4 =	vor.u32 v62, v4;
	v5 =	vor.u32 v62, v5  }
0x9f: {  	v4 =	vor.u32 $0x7380, v4;
	_ =	sdelay $0x1  }
0xa0: {  	v63 =	vpop (erf)  }
0xa1: {  	v3 =	vmul.f32 v63, v3  }
0xa2: {  	[tilespmem:v5+s15+$0x0] =	vst.idx.msk $0xffff, v1  }
0xa3: {  	[tilespmem:v4+s15+$0x0] =	vst.idx.msk $0xffff, v3  }
0xa4: {  	[hbm4b:s9+s16] =	stream.strided.scatter [tilespmem:s15], [sflag:$0x2], $0x7800, s17, s16, $0x38;
	[tilespmem:$0x10000] =	vst v63  }
0xa5: {  	_ =	swait.ge [sflag:s18], $0x7800  }
0xa6: {  	s23 =	simm.s32 $0x0;
	[sflag:s18] =	ssyncset.done $0x0  }
0xa7: {  	s22 =	simm.s32 $0x0;
	s21 =	simm.s32 $0x0;
	[sflag:s18] =	ssyncadd.s32 $0xFFFF8800  }
.LBB2_6:
0xa8: {  	v3 =	vld [tilespmem:s21+$0x0];
	_ =	sdelay $0x2  }
0xa9: {  	v4 =	vmov s22  }
0xaa: {  	v5 =	vor.u32 s22, v0;
	v4 =	vshll.u32 v4, $0x3  }
0xab: {  	v5 =	vand.u32 $0x7F, v5;
	v4 =	vand.u32 $0x400, v4;
	v6 =	vshll.u32 v3, $0x8  }
0xac: {  	v4 =	vor.u32 v4, v5;
	v3 =	vshll.u32 v3, $0x7;
	v6 =	vand.u32 $0xFFFFF800, v6  }
0xad: {  	v3 =	vand.u32 $0x380, v3;
	v4 =	vor.u32 v6, v4  }
0xae: {  	p0 =	sne.s32 s22, $0xF0;
	v3 =	vor.u32 v3, v4  }
.Ltmp2:
0xaf: {  	_ = 	snop;
	(pc) =	sbr.rel @p0 .LBB2_6-.Ltmp2, $2  }
0xb0: {  	_ =	sdelay $0x2  }
0xb1: {  	s21 =	sadd.s32 $0x10, s21;
	s22 =	sadd.s32 $0x10, s22;
	[tilespmem:v3+s13+$0x0] =	vst.idx.msk $0xffff, v2  }
0xb2: {  	s21 =	simm.s32 $0x600  }
0xb3: {  	s22 =	simm.s32 $0xA00;
	v3 =	vld [tilespmem:s21+$0x0]  }
0xb4: {  	v4 =	vld [tilespmem:s22+$0x0]  }
0xb5: {  	s21 =	simm.s32 $0xE00  }
0xb6: {  	v5 =	vld [tilespmem:s21+$0x0];
	_ =	sdelay $0x2  }
0xb7: {  	v3 =	vmul.f32 v3, v3;
	v4 =	vmul.f32 v4, v4;
	_ =	sdelay $0x1  }
0xb8: {  	v3 =	vadd.f32 v4, v3;
	v4 =	vmul.f32 v5, v5  }
0xb9: {  	s22 =	simm.s32 $0x200  }
0xba: {  	v5 =	vld [tilespmem:s22+$0x0];
	v3 =	vadd.f32 v4, v3;
	_ =	sdelay $0x1  }
0xbb: {  	v4 =	vmax.f32 v3, $1.000000020e-24  }
0xbc: {  	(erf) = vrcp.f32 v4  }
0xbd: {  	v4 =	vmov s23  }
0xbe: {  	v6 =	vshll.u32 v5, $0x7;
	v4 =	vshll.u32 v4, $0x3  }
0xbf: {  	v5 =	vshll.u32 v5, $0x8;
	v6 =	vand.u32 $0x380, v6;
	v7 =	vand.u32 $0x400, v4  }
0xc0: {  	v8 =	vor.u32 s23, v0;
	v5 =	vand.u32 $0xFFFFF800, v5;
	v6 =	vor.u32 v6, v7  }
0xc1: {  	v7 =	vand.u32 $0x7F, v8;
	v5 =	vor.u32 v5, v6  }
0xc2: {  	v4 =	vor.u32 v7, v4;
	v5 =	vor.u32 v7, v5  }
0xc3: {  	v4 =	vor.u32 $0x7380, v4;
	_ =	sdelay $0x1  }
0xc4: {  	v6 =	vpop (erf)  }
0xc5: {  	v3 =	vmul.f32 v6, v3  }
0xc6: {  	[tilespmem:v5+s13+$0x0] =	vst.idx.msk $0xffff, v1  }
0xc7: {  	s24 =	simm.s32 $0x610;
	[tilespmem:v4+s13+$0x0] =	vst.idx.msk $0xffff, v3  }
0xc8: {  	s25 =	simm.s32 $0xA10;
	v3 =	vld [tilespmem:s24+$0x0]  }
0xc9: {  	s26 =	simm.s32 $0x20;
	s23 =	simm.s32 $0x10;
	v4 =	vld [tilespmem:s25+$0x0]  }
.LBB2_8:
0xca: {  	p0 =	sne.s32 s26, $0xF0;
	s21 =	sadd.s32 $0x10, s21  }
0xcb: {  	v5 =	vld [tilespmem:s21+$0x0];
	_ =	sdelay $0x2  }
0xcc: {  	v3 =	vmul.f32 v3, v3;
	v4 =	vmul.f32 v4, v4;
	_ =	sdelay $0x1  }
0xcd: {  	v3 =	vadd.f32 v4, v3;
	v4 =	vmul.f32 v5, v5  }
0xce: {  	s22 =	sadd.s32 $0x10, s22  }
0xcf: {  	v5 =	vld [tilespmem:s22+$0x0];
	v3 =	vadd.f32 v4, v3;
	_ =	sdelay $0x1  }
0xd0: {  	v4 =	vmax.f32 v3, $1.000000020e-24  }
0xd1: {  	(erf) = vrcp.f32 v4  }
0xd2: {  	v4 =	vmov s23  }
0xd3: {  	v4 =	vshll.u32 v4, $0x3;
	v6 =	vshll.u32 v5, $0x7  }
0xd4: {  	v5 =	vshll.u32 v5, $0x8;
	v7 =	vand.u32 $0x400, v4;
	v6 =	vand.u32 $0x380, v6  }
0xd5: {  	v8 =	vor.u32 s23, v0;
	s23 =	smov.u32 s26;
	v5 =	vand.u32 $0xFFFFF800, v5;
	v6 =	vor.u32 v6, v7  }
0xd6: {  	v7 =	vand.u32 $0x7F, v8;
	v5 =	vor.u32 v5, v6  }
0xd7: {  	v4 =	vor.u32 v7, v4;
	v5 =	vor.u32 v7, v5  }
0xd8: {  	v4 =	vor.u32 $0x7380, v4;
	_ =	sdelay $0x1  }
0xd9: {  	v6 =	vpop (erf)  }
.Ltmp3:
0xda: {  	v3 =	vmul.f32 v6, v3;
	(pc) =	sbr.rel @p0 .LBB2_8-.Ltmp3, $4  }
0xdb: {  	[tilespmem:v5+s13+$0x0] =	vst.idx.msk $0xffff, v1  }
0xdc: {  	s24 =	sadd.s32 $0x10, s24;
	[tilespmem:v4+s13+$0x0] =	vst.idx.msk $0xffff, v3  }
0xdd: {  	s25 =	sadd.s32 $0x10, s25;
	v3 =	vld [tilespmem:s24+$0x0]  }
0xde: {  	s26 =	sadd.s32 $0x10, s26;
	v4 =	vld [tilespmem:s25+$0x0]  }
0xdf: {  	s21 =	sadd.s32 $0x10, s21  }
0xe0: {  	v5 =	vld [tilespmem:s21+$0x0];
	_ =	sdelay $0x2  }
0xe1: {  	v3 =	vmul.f32 v3, v3;
	v4 =	vmul.f32 v4, v4;
	_ =	sdelay $0x1  }
0xe2: {  	v3 =	vadd.f32 v4, v3;
	v59 =	vmul.f32 v5, v5  }
0xe3: {  	s31 =	sadd.s32 $0x10, s22  }
0xe4: {  	v60 =	vld [tilespmem:s31+$0x0];
	v3 =	vadd.f32 v59, v3;
	_ =	sdelay $0x1  }
0xe5: {  	v4 =	vmax.f32 v3, $1.000000020e-24  }
0xe6: {  	(erf) = vrcp.f32 v4  }
0xe7: {  	v61 =	vmov s23  }
0xe8: {  	v6 =	vshll.u32 v60, $0x7;
	v4 =	vshll.u32 v61, $0x3  }
0xe9: {  	v5 =	vshll.u32 v60, $0x8;
	v6 =	vand.u32 $0x380, v6;
	v7 =	vand.u32 $0x400, v4  }
0xea: {  	v8 =	vor.u32 s23, v0;
	v5 =	vand.u32 $0xFFFFF800, v5;
	v6 =	vor.u32 v6, v7  }
0xeb: {  	v62 =	vand.u32 $0x7F, v8;
	v5 =	vor.u32 v5, v6  }
0xec: {  	v4 =	vor.u32 v62, v4;
	v5 =	vor.u32 v62, v5  }
0xed: {  	v4 =	vor.u32 $0x7380, v4;
	_ =	sdelay $0x1  }
0xee: {  	v63 =	vpop (erf)  }
0xef: {  	v3 =	vmul.f32 v63, v3  }
0xf0: {  	[tilespmem:v5+s13+$0x0] =	vst.idx.msk $0xffff, v1  }
0xf1: {  	[tilespmem:v4+s13+$0x0] =	vst.idx.msk $0xffff, v3  }
0xf2: {  	[hbm4b:s10+s16] =	stream.strided.scatter [tilespmem:s13], [sflag:$0x1], $0x7800, s17, s16, $0x38;
	[tilespmem:$0x10000] =	vst v63  }
0xf3: {  	_ =	swait.ge [sflag:s19], $0x7800  }
0xf4: {  	[sflag:s19] =	ssyncset.done $0x0  }
0xf5: {  	s23 =	simm.s32 $0x0;
	s21 =	simm.s32 $0x0;
	[sflag:s19] =	ssyncadd.s32 $0xFFFF8800  }
.LBB2_10:
0xf6: {  	s22 =	sand.u32 $0xF0, s21  }
0xf7: {  	v3 =	vld [tilespmem:s22+$0x100];
	_ =	sdelay $0x2  }
0xf8: {  	v4 =	vmov s21  }
0xf9: {  	v5 =	vor.u32 s21, v0;
	v4 =	vshll.u32 v4, $0x3  }
0xfa: {  	v5 =	vand.u32 $0x7F, v5;
	v4 =	vand.u32 $0x400, v4;
	v6 =	vshll.u32 v3, $0x8  }
0xfb: {  	v4 =	vor.u32 v4, v5;
	v3 =	vshll.u32 v3, $0x7;
	v6 =	vand.u32 $0xFFFFF800, v6  }
0xfc: {  	v3 =	vand.u32 $0x380, v3;
	v4 =	vor.u32 v6, v4  }
0xfd: {  	p0 =	sne.s32 s21, $0xF0;
	v3 =	vor.u32 v3, v4  }
.Ltmp4:
0xfe: {  	_ = 	snop;
	(pc) =	sbr.rel @p0 .LBB2_10-.Ltmp4, $2  }
0xff: {  	_ =	sdelay $0x2  }
0x100: {  	s21 =	sadd.s32 $0x10, s21;
	[tilespmem:v3+s15+$0x0] =	vst.idx.msk $0xffff, v2  }
0x101: {  	s21 =	simm.s32 $0x700  }
0x102: {  	s22 =	simm.s32 $0xB00;
	v3 =	vld [tilespmem:s21+$0x0]  }
0x103: {  	v4 =	vld [tilespmem:s22+$0x0]  }
0x104: {  	s21 =	simm.s32 $0xF00  }
0x105: {  	v5 =	vld [tilespmem:s21+$0x0];
	_ =	sdelay $0x2  }
0x106: {  	v3 =	vmul.f32 v3, v3;
	v4 =	vmul.f32 v4, v4;
	_ =	sdelay $0x1  }
0x107: {  	v3 =	vadd.f32 v4, v3;
	v4 =	vmul.f32 v5, v5  }
0x108: {  	s22 =	simm.s32 $0x300  }
0x109: {  	v5 =	vld [tilespmem:s22+$0x0];
	v3 =	vadd.f32 v4, v3;
	_ =	sdelay $0x1  }
0x10a: {  	v4 =	vmax.f32 v3, $1.000000020e-24  }
0x10b: {  	(erf) = vrcp.f32 v4  }
0x10c: {  	v4 =	vmov s23  }
0x10d: {  	v6 =	vshll.u32 v5, $0x7;
	v4 =	vshll.u32 v4, $0x3  }
0x10e: {  	v5 =	vshll.u32 v5, $0x8;
	v6 =	vand.u32 $0x380, v6;
	v7 =	vand.u32 $0x400, v4  }
0x10f: {  	v8 =	vor.u32 s23, v0;
	v5 =	vand.u32 $0xFFFFF800, v5;
	v6 =	vor.u32 v6, v7  }
0x110: {  	v7 =	vand.u32 $0x7F, v8;
	v5 =	vor.u32 v5, v6  }
0x111: {  	v4 =	vor.u32 v7, v4;
	v5 =	vor.u32 v7, v5  }
0x112: {  	v4 =	vor.u32 $0x7380, v4;
	_ =	sdelay $0x1  }
0x113: {  	v6 =	vpop (erf)  }
0x114: {  	v3 =	vmul.f32 v6, v3  }
0x115: {  	[tilespmem:v5+s15+$0x0] =	vst.idx.msk $0xffff, v1  }
0x116: {  	s24 =	simm.s32 $0x710;
	[tilespmem:v4+s15+$0x0] =	vst.idx.msk $0xffff, v3  }
0x117: {  	s25 =	simm.s32 $0xB10;
	v3 =	vld [tilespmem:s24+$0x0]  }
0x118: {  	s26 =	simm.s32 $0x20;
	s23 =	simm.s32 $0x10;
	v4 =	vld [tilespmem:s25+$0x0]  }
.LBB2_12:
0x119: {  	p0 =	sne.s32 s26, $0xF0;
	s21 =	sadd.s32 $0x10, s21  }
0x11a: {  	v5 =	vld [tilespmem:s21+$0x0];
	_ =	sdelay $0x2  }
0x11b: {  	v3 =	vmul.f32 v3, v3;
	v4 =	vmul.f32 v4, v4;
	_ =	sdelay $0x1  }
0x11c: {  	v3 =	vadd.f32 v4, v3;
	v4 =	vmul.f32 v5, v5  }
0x11d: {  	s22 =	sadd.s32 $0x10, s22  }
0x11e: {  	v5 =	vld [tilespmem:s22+$0x0];
	v3 =	vadd.f32 v4, v3;
	_ =	sdelay $0x1  }
0x11f: {  	v4 =	vmax.f32 v3, $1.000000020e-24  }
0x120: {  	(erf) = vrcp.f32 v4  }
0x121: {  	v4 =	vmov s23  }
0x122: {  	v4 =	vshll.u32 v4, $0x3;
	v6 =	vshll.u32 v5, $0x7  }
0x123: {  	v5 =	vshll.u32 v5, $0x8;
	v7 =	vand.u32 $0x400, v4;
	v6 =	vand.u32 $0x380, v6  }
0x124: {  	v8 =	vor.u32 s23, v0;
	s23 =	smov.u32 s26;
	v5 =	vand.u32 $0xFFFFF800, v5;
	v6 =	vor.u32 v6, v7  }
0x125: {  	v7 =	vand.u32 $0x7F, v8;
	v5 =	vor.u32 v5, v6  }
0x126: {  	v4 =	vor.u32 v7, v4;
	v5 =	vor.u32 v7, v5  }
0x127: {  	v4 =	vor.u32 $0x7380, v4;
	_ =	sdelay $0x1  }
0x128: {  	v6 =	vpop (erf)  }
.Ltmp5:
0x129: {  	v3 =	vmul.f32 v6, v3;
	(pc) =	sbr.rel @p0 .LBB2_12-.Ltmp5, $4  }
0x12a: {  	[tilespmem:v5+s15+$0x0] =	vst.idx.msk $0xffff, v1  }
0x12b: {  	s24 =	sadd.s32 $0x10, s24;
	[tilespmem:v4+s15+$0x0] =	vst.idx.msk $0xffff, v3  }
0x12c: {  	s25 =	sadd.s32 $0x10, s25;
	v3 =	vld [tilespmem:s24+$0x0]  }
0x12d: {  	s26 =	sadd.s32 $0x10, s26;
	v4 =	vld [tilespmem:s25+$0x0]  }
0x12e: {  	s21 =	sadd.s32 $0x10, s21  }
0x12f: {  	v5 =	vld [tilespmem:s21+$0x0];
	_ =	sdelay $0x2  }
0x130: {  	v3 =	vmul.f32 v3, v3;
	v4 =	vmul.f32 v4, v4;
	_ =	sdelay $0x1  }
0x131: {  	v3 =	vadd.f32 v4, v3;
	v59 =	vmul.f32 v5, v5  }
0x132: {  	s31 =	sadd.s32 $0x10, s22  }
0x133: {  	v60 =	vld [tilespmem:s31+$0x0];
	v3 =	vadd.f32 v59, v3;
	_ =	sdelay $0x1  }
0x134: {  	v4 =	vmax.f32 v3, $1.000000020e-24  }
0x135: {  	(erf) = vrcp.f32 v4  }
0x136: {  	v61 =	vmov s23  }
0x137: {  	v6 =	vshll.u32 v60, $0x7;
	v4 =	vshll.u32 v61, $0x3  }
0x138: {  	v5 =	vshll.u32 v60, $0x8;
	v6 =	vand.u32 $0x380, v6;
	v7 =	vand.u32 $0x400, v4  }
0x139: {  	v8 =	vor.u32 s23, v0;
	v5 =	vand.u32 $0xFFFFF800, v5;
	v6 =	vor.u32 v6, v7  }
0x13a: {  	v62 =	vand.u32 $0x7F, v8;
	v5 =	vor.u32 v5, v6  }
0x13b: {  	v4 =	vor.u32 v62, v4;
	v5 =	vor.u32 v62, v5  }
0x13c: {  	v4 =	vor.u32 $0x7380, v4;
	_ =	sdelay $0x1  }
0x13d: {  	v63 =	vpop (erf)  }
0x13e: {  	v3 =	vmul.f32 v63, v3  }
0x13f: {  	[tilespmem:v5+s15+$0x0] =	vst.idx.msk $0xffff, v1  }
0x140: {  	s20 =	sadd.s32 $0x1, s20;
	[tilespmem:v4+s15+$0x0] =	vst.idx.msk $0xffff, v3  }
0x141: {  	[hbm4b:s11+s16] =	stream.strided.scatter [tilespmem:s15], [sflag:$0x2], $0x7800, s17, s16, $0x38;
	[tilespmem:$0x10000] =	vst v63  }
0x142: {  	p0 =	sne.s32 s20, s12;
	_ =	swait.ge [sflag:s18], $0x7800  }
.Ltmp6:
0x143: {  	[sflag:s18] =	ssyncset.done $0x0;
	(pc) =	sbr.rel @p0 .LBB2_1-.Ltmp6, $4  }
0x144: {  	[sflag:s18] =	ssyncadd.s32 $0xFFFF8800  }
0x145: {  	_ =	swait.ge [sflag:s19], $0x7800  }
0x146: {  	[sflag:s19] =	ssyncset.done $0x0  }
0x147: {  	[sflag:s19] =	ssyncadd.s32 $0xFFFF8800  }
0x148: {  	_ =	sfence.sel $0x180000  }
0x149: {  	[bflag:$0x0] =	sbarrier.arrive $0xFFFF  }
0x14a: {  	p0 =	sne.s32 s1, $0x0;
	_ =	strace $0x90000047  }
0x14b: {  	s0 =	sadd.s32 @!p0 $0x100000, s0;
	[bflag:$0x2] =	sbarrier.arrive $0xFFFF  }
0x14c: {  	[sflag:s0] =	ssyncadd.tile.s32 @!p0 $0x1;
	_ =	shalt  }
.Lfunc_end2:
_tile_overlayer_lowered:
.L_overlay_start_2:
0x14d: {  	(tag) =	ssettag $0x2  }
0x14e: {  	s0 =	rddreg [dreg:$0x0];
	s2 =	stileid.u32  }
0x14f: {  	s1 =	rddreg [dreg:$0x1];
	p0 =	sne.s32 s2, $0x0  }
0x150: {  	s3 =	rddreg [dreg:$0x2];
	[bflag:$0x3] =	sbarrier.arrive $0xFFFF;
	s2 =	simm.s32 @!p0 $0x1C03  }
0x151: {  	[timem:s3], [sflag:s2] =	dma.local @!p0 [hbm:s0], s1  }
0x152: {  	s0 =	simm.s32 @!p0 $0x3  }
0x153: {  	_ =	swait.ge @!p0 [sflag:s0], s1  }
0x154: {  	s1 =	ssub.s32 @!p0 $0x0, s1;
	[sflag:s0] =	ssyncset.done @!p0 $0x0  }
0x155: {  	[sflag:s0] =	ssyncadd.s32 @!p0 s1  }
0x156: {  	[bflag:$0x3] =	sbarrier.arrive $0xFFFF  }
0x157: {  	_ =	shalt  }

</sc_bundles>
